<compile_context>
chip_gen: v7x
topology: tpu7x:2x2x1
jax: 0.10.2.dev20260603
libtpu: 0.0.44.dev20260713+nightly
codegen_flags: <defaults>
</compile_context>

<pallas_src>
import jax
import jax.numpy as jnp
from jax import lax
from jax.experimental import pallas as pl
from jax.experimental.pallas import tpu as pltpu
from jax.experimental.pallas import tpu_sc as plsc

_NUM_CORES = 2
_NUM_SUBCORES = 16
_NW = _NUM_CORES * _NUM_SUBCORES

_CHUNK = 800
_NCHUNK = 8
_EMBED = 32


def _emb_kernel(x_hbm, table_hbm, out_hbm, idx_v, rows_v, gs0, gs1, os0, os1):
  wid = lax.axis_index("s") * _NUM_CORES + lax.axis_index("c")
  row0 = wid * (_NCHUNK * _CHUNK)
  gsem = (gs0, gs1)
  osem = (os0, os1)
  pltpu.sync_copy(x_hbm.at[wid], idx_v)

  g_descs = [None] * _NCHUNK
  o_descs = [None] * _NCHUNK
  for c in range(_NCHUNK):
    b = c % 2
    if c >= 2:
      o_descs[c - 2].wait()
    g_descs[c] = pltpu.async_copy(
        table_hbm.at[idx_v.at[c]], rows_v.at[b], gsem[b])
    if c >= 1:
      g_descs[c - 1].wait()
      o_descs[c - 1] = pltpu.async_copy(
          rows_v.at[1 - b],
          out_hbm.at[pl.ds(row0 + (c - 1) * _CHUNK, _CHUNK)],
          osem[1 - b])
  last = _NCHUNK - 1
  g_descs[last].wait()
  o_descs[last] = pltpu.async_copy(
      rows_v.at[last % 2],
      out_hbm.at[pl.ds(row0 + last * _CHUNK, _CHUNK)],
      osem[last % 2])
  o_descs[last - 1].wait()
  o_descs[last].wait()


@jax.jit
def _run(x_flat, table):
  x3 = x_flat.reshape(_NW, _NCHUNK, _CHUNK)
  mesh = plsc.VectorSubcoreMesh(core_axis_name="c", subcore_axis_name="s")
  out = pl.kernel(
      _emb_kernel,
      out_type=jax.ShapeDtypeStruct((x_flat.shape[0], _EMBED), jnp.float32),
      mesh=mesh,
      compiler_params=pltpu.CompilerParams(use_tc_tiling_on_sc=False),
      scratch_types=[
          pltpu.VMEM((_NCHUNK, _CHUNK), jnp.int32),
          pltpu.VMEM((2, _CHUNK, _EMBED), jnp.float32),
          pltpu.SemaphoreType.DMA,
          pltpu.SemaphoreType.DMA,
          pltpu.SemaphoreType.DMA,
          pltpu.SemaphoreType.DMA,
      ],
  )(x3, table)
  return out


def kernel(x, table):
  b, h = x.shape
  out = _run(x.reshape(b * h).astype(jnp.int32), table)
  return out.reshape(b, h, table.shape[1])

# --- scband reference (transcript-rebuilt; emitter-appended) ---
"""Pipeline reference for scband-embedding-54580444397683 (READ-ONLY COPY).

The authoritative reference and input builder live on the scoring server;
editing this copy changes nothing except your own understanding.
"""

import jax, jax.numpy as jnp
import numpy as np

VOCAB = 1000000
EMBED_DIM = 32
BATCH = 4096
HIST = 50

def setup_inputs(seed: int = 0) -> dict:
    key = jax.random.key(seed)
    k_idx, k_tab = jax.random.split(key)
    x = jax.random.randint(k_idx, (BATCH, HIST), 0, VOCAB, dtype=jnp.int64 if jax.config.jax_enable_x64 else jnp.int32)
    table = jax.random.normal(k_tab, (VOCAB, EMBED_DIM), dtype=jnp.float32)
    return {"x": x, "table": table}

def reference(x, table):
    # nn.Embedding forward: gather rows of the embedding table
    return jnp.take(table, x, axis=0)

if __name__ == "__main__":
    import jax
    _d = setup_inputs()
    print(jax.jit(kernel)(*tuple(_d.values())))

</pallas_src>

<mosaic_0001>
#map = affine_map<(d0, d1) -> (0, 0, 0)>
#map1 = affine_map<(d0, d1) -> (0, 0)>
module attributes {stable_mosaic.version = 14 : i64} {
  func.func @_emb_kernel(%arg0: i32, %arg1: i32, %arg2: memref<32x8x800xi32, #tpu.memory_space<hbm>>, %arg3: memref<1000000x32xf32, #tpu.memory_space<hbm>>, %arg4: memref<204800x32xf32, #tpu.memory_space<hbm>>, %arg5: memref<8x800xi32, #tpu.memory_space<vmem>>, %arg6: memref<2x800x32xf32, #tpu.memory_space<vmem>>, %arg7: memref<!tpu.dma_semaphore, #tpu.memory_space<semaphore_mem>>, %arg8: memref<!tpu.dma_semaphore, #tpu.memory_space<semaphore_mem>>, %arg9: memref<!tpu.dma_semaphore, #tpu.memory_space<semaphore_mem>>, %arg10: memref<!tpu.dma_semaphore, #tpu.memory_space<semaphore_mem>>) attributes {dimension_semantics = [#tpu.dimension_semantics<core_parallel>, #tpu.dimension_semantics<subcore_parallel>], iteration_bounds = array<i64: 2, 16>, scalar_prefetch = 0 : i64, scratch_operands = 6 : i64, tpu.core_type = #tpu.core_type<sc_vector_subcore>, window_params = [{transform_indices = #map}, {transform_indices = #map1}, {transform_indices = #map1}]} {
    %mul3A = arith.constant 2 : i32
    %mul3A_0 = arith.muli %arg1, %mul3A : i32
    %add3A = arith.addi %mul3A_0, %arg0 : i32
    %mul3A_1 = arith.constant 6400 : i32
    %mul3A_2 = arith.muli %add3A, %mul3A_1 : i32
    "tpu.region"() ({
      %run_scoped3A = tpu.sem_alloc : memref<!tpu.dma_semaphore, #tpu.memory_space<semaphore_mem>>
      %dma_start3A_417 = arith.constant 0 : i32
      %dma_start3A_418 = arith.constant 0 : i32
      %dma_start3A_419 = tpu.memref_slice %arg2[%add3A, %dma_start3A_417, %dma_start3A_418] : memref<32x8x800xi32, #tpu.memory_space<hbm>> -> memref<1x8x800xi32, #tpu.memory_space<hbm>>
      %dma_start3A_420 = tpu.memref_squeeze %dma_start3A_419 : memref<1x8x800xi32, #tpu.memory_space<hbm>> -> memref<8x800xi32, #tpu.memory_space<hbm>>
      %dma_start3A_421 = arith.constant 0 : i32
      %dma_start3A_422 = arith.constant 0 : i32
      %dma_start3A_423 = tpu.memref_slice %arg2[%add3A, %dma_start3A_421, %dma_start3A_422] : memref<32x8x800xi32, #tpu.memory_space<hbm>> -> memref<1x8x800xi32, #tpu.memory_space<hbm>>
      %dma_start3A_424 = tpu.memref_squeeze %dma_start3A_423 : memref<1x8x800xi32, #tpu.memory_space<hbm>> -> memref<8x800xi32, #tpu.memory_space<hbm>>
      tpu.enqueue_dma source(%dma_start3A_424 : memref<8x800xi32, #tpu.memory_space<hbm>>) target(%arg5 : memref<8x800xi32, #tpu.memory_space<vmem>>) target_semaphore(%run_scoped3A : memref<!tpu.dma_semaphore, #tpu.memory_space<semaphore_mem>>)
      %dma_wait3A_425 = arith.constant 0 : i32
      %dma_wait3A_426 = arith.constant 0 : i32
      %dma_wait3A_427 = tpu.memref_slice %arg2[%add3A, %dma_wait3A_425, %dma_wait3A_426] : memref<32x8x800xi32, #tpu.memory_space<hbm>> -> memref<1x8x800xi32, #tpu.memory_space<hbm>>
      %dma_wait3A_428 = tpu.memref_squeeze %dma_wait3A_427 : memref<1x8x800xi32, #tpu.memory_space<hbm>> -> memref<8x800xi32, #tpu.memory_space<hbm>>
      %dma_wait3A_429 = arith.constant 0 : i32
      %dma_wait3A_430 = arith.constant 0 : i32
      %dma_wait3A_431 = tpu.memref_slice %arg2[%add3A, %dma_wait3A_429, %dma_wait3A_430] : memref<32x8x800xi32, #tpu.memory_space<hbm>> -> memref<1x8x800xi32, #tpu.memory_space<hbm>>
      %dma_wait3A_432 = tpu.memref_squeeze %dma_wait3A_431 : memref<1x8x800xi32, #tpu.memory_space<hbm>> -> memref<8x800xi32, #tpu.memory_space<hbm>>
      tpu.wait_dma2 semaphore(%run_scoped3A : memref<!tpu.dma_semaphore, #tpu.memory_space<semaphore_mem>>) src(%dma_wait3A_432 : memref<8x800xi32, #tpu.memory_space<hbm>>) dst(%arg5 : memref<8x800xi32, #tpu.memory_space<vmem>>)
      tpu.yield
    }) : () -> ()
    %dma_start3A = arith.constant 0 : i32
    %dma_start3A_3 = arith.constant 0 : i32
    %dma_start3A_4 = arith.constant 0 : i32
    %dma_start3A_5 = arith.constant 0 : i32
    %dma_start3A_6 = tpu.memref_slice %arg6[%dma_start3A_3, %dma_start3A_4, %dma_start3A_5] : memref<2x800x32xf32, #tpu.memory_space<vmem>> -> memref<1x800x32xf32, #tpu.memory_space<vmem>>
    %dma_start3A_7 = tpu.memref_squeeze %dma_start3A_6 : memref<1x800x32xf32, #tpu.memory_space<vmem>> -> memref<800x32xf32, #tpu.memory_space<vmem>>
    %dma_start3A_8 = arith.constant 0 : i32
    %dma_start3A_9 = tpu.memref_slice %arg5[%dma_start3A, %dma_start3A_8] : memref<8x800xi32, #tpu.memory_space<vmem>> -> memref<1x800xi32, #tpu.memory_space<vmem>>
    %dma_start3A_10 = tpu.memref_squeeze %dma_start3A_9 : memref<1x800xi32, #tpu.memory_space<vmem>> -> memref<800xi32, #tpu.memory_space<vmem>>
    %dma_start3A_11 = arith.constant 0 : i32
    %dma_start3A_12 = arith.constant 0 : i32
    %dma_start3A_13 = tpu.memref_slice %arg3[%dma_start3A_11, %dma_start3A_12] : memref<1000000x32xf32, #tpu.memory_space<hbm>> -> memref<1000000x32xf32, #tpu.memory_space<hbm>>
    tpu.enqueue_indirect_dma source(%dma_start3A_13 : memref<1000000x32xf32, #tpu.memory_space<hbm>>) target(%dma_start3A_7 : memref<800x32xf32, #tpu.memory_space<vmem>>) offsets(%dma_start3A_10 : memref<800xi32, #tpu.memory_space<vmem>>) semaphore(%arg7 : memref<!tpu.dma_semaphore, #tpu.memory_space<semaphore_mem>>)
    %dma_start3A_14 = arith.constant 1 : i32
    %dma_start3A_15 = arith.constant 1 : i32
    %dma_start3A_16 = arith.constant 0 : i32
    %dma_start3A_17 = arith.constant 0 : i32
    %dma_start3A_18 = tpu.memref_slice %arg6[%dma_start3A_15, %dma_start3A_16, %dma_start3A_17] : memref<2x800x32xf32, #tpu.memory_space<vmem>> -> memref<1x800x32xf32, #tpu.memory_space<vmem>>
    %dma_start3A_19 = tpu.memref_squeeze %dma_start3A_18 : memref<1x800x32xf32, #tpu.memory_space<vmem>> -> memref<800x32xf32, #tpu.memory_space<vmem>>
    %dma_start3A_20 = arith.constant 0 : i32
    %dma_start3A_21 = tpu.memref_slice %arg5[%dma_start3A_14, %dma_start3A_20] : memref<8x800xi32, #tpu.memory_space<vmem>> -> memref<1x800xi32, #tpu.memory_space<vmem>>
    %dma_start3A_22 = tpu.memref_squeeze %dma_start3A_21 : memref<1x800xi32, #tpu.memory_space<vmem>> -> memref<800xi32, #tpu.memory_space<vmem>>
    %dma_start3A_23 = arith.constant 0 : i32
    %dma_start3A_24 = arith.constant 0 : i32
    %dma_start3A_25 = tpu.memref_slice %arg3[%dma_start3A_23, %dma_start3A_24] : memref<1000000x32xf32, #tpu.memory_space<hbm>> -> memref<1000000x32xf32, #tpu.memory_space<hbm>>
    tpu.enqueue_indirect_dma source(%dma_start3A_25 : memref<1000000x32xf32, #tpu.memory_space<hbm>>) target(%dma_start3A_19 : memref<800x32xf32, #tpu.memory_space<vmem>>) offsets(%dma_start3A_22 : memref<800xi32, #tpu.memory_space<vmem>>) semaphore(%arg8 : memref<!tpu.dma_semaphore, #tpu.memory_space<semaphore_mem>>)
    %dma_wait3A = arith.constant 0 : i32
    %dma_wait3A_26 = arith.constant 0 : i32
    %dma_wait3A_27 = arith.constant 0 : i32
    %dma_wait3A_28 = arith.constant 0 : i32
    %dma_wait3A_29 = tpu.memref_slice %arg6[%dma_wait3A_26, %dma_wait3A_27, %dma_wait3A_28] : memref<2x800x32xf32, #tpu.memory_space<vmem>> -> memref<1x800x32xf32, #tpu.memory_space<vmem>>
    %dma_wait3A_30 = tpu.memref_squeeze %dma_wait3A_29 : memref<1x800x32xf32, #tpu.memory_space<vmem>> -> memref<800x32xf32, #tpu.memory_space<vmem>>
    %dma_wait3A_31 = arith.constant 0 : i32
    %dma_wait3A_32 = tpu.memref_slice %arg5[%dma_wait3A, %dma_wait3A_31] : memref<8x800xi32, #tpu.memory_space<vmem>> -> memref<1x800xi32, #tpu.memory_space<vmem>>
    %dma_wait3A_33 = tpu.memref_squeeze %dma_wait3A_32 : memref<1x800xi32, #tpu.memory_space<vmem>> -> memref<800xi32, #tpu.memory_space<vmem>>
    %dma_wait3A_34 = arith.constant 0 : i32
    %dma_wait3A_35 = arith.constant 0 : i32
    %dma_wait3A_36 = tpu.memref_slice %arg3[%dma_wait3A_34, %dma_wait3A_35] : memref<1000000x32xf32, #tpu.memory_space<hbm>> -> memref<1000000x32xf32, #tpu.memory_space<hbm>>
    tpu.wait_indirect_dma semaphore(%arg7 : memref<!tpu.dma_semaphore, #tpu.memory_space<semaphore_mem>>) src(%dma_wait3A_36 : memref<1000000x32xf32, #tpu.memory_space<hbm>>) dst(%dma_wait3A_30 : memref<800x32xf32, #tpu.memory_space<vmem>>)
    %add3A_37 = arith.constant 0 : i32
    %add3A_38 = arith.addi %mul3A_2, %add3A_37 : i32
    %dma_start3A_39 = arith.constant 0 : i32
    %dma_start3A_40 = arith.constant 0 : i32
    %dma_start3A_41 = arith.constant 0 : i32
    %dma_start3A_42 = tpu.memref_slice %arg6[%dma_start3A_39, %dma_start3A_40, %dma_start3A_41] : memref<2x800x32xf32, #tpu.memory_space<vmem>> -> memref<1x800x32xf32, #tpu.memory_space<vmem>>
    %dma_start3A_43 = tpu.memref_squeeze %dma_start3A_42 : memref<1x800x32xf32, #tpu.memory_space<vmem>> -> memref<800x32xf32, #tpu.memory_space<vmem>>
    %dma_start3A_44 = arith.constant 0 : i32
    %dma_start3A_45 = tpu.memref_slice %arg4[%add3A_38, %dma_start3A_44] : memref<204800x32xf32, #tpu.memory_space<hbm>> -> memref<800x32xf32, #tpu.memory_space<hbm>>
    %dma_start3A_46 = arith.constant 0 : i32
    %dma_start3A_47 = tpu.memref_slice %arg4[%add3A_38, %dma_start3A_46] : memref<204800x32xf32, #tpu.memory_space<hbm>> -> memref<800x32xf32, #tpu.memory_space<hbm>>
    %dma_start3A_48 = arith.constant 0 : i32
    %dma_start3A_49 = arith.constant 0 : i32
    %dma_start3A_50 = tpu.memref_slice %arg6[%dma_start3A_39, %dma_start3A_48, %dma_start3A_49] : memref<2x800x32xf32, #tpu.memory_space<vmem>> -> memref<1x800x32xf32, #tpu.memory_space<vmem>>
    %dma_start3A_51 = tpu.memref_squeeze %dma_start3A_50 : memref<1x800x32xf32, #tpu.memory_space<vmem>> -> memref<800x32xf32, #tpu.memory_space<vmem>>
    tpu.enqueue_dma source(%dma_start3A_51 : memref<800x32xf32, #tpu.memory_space<vmem>>) target(%dma_start3A_47 : memref<800x32xf32, #tpu.memory_space<hbm>>) target_semaphore(%arg9 : memref<!tpu.dma_semaphore, #tpu.memory_space<semaphore_mem>>)
    %dma_wait3A_52 = arith.constant 0 : i32
    %dma_wait3A_53 = arith.constant 0 : i32
    %dma_wait3A_54 = arith.constant 0 : i32
    %dma_wait3A_55 = tpu.memref_slice %arg6[%dma_wait3A_52, %dma_wait3A_53, %dma_wait3A_54] : memref<2x800x32xf32, #tpu.memory_space<vmem>> -> memref<1x800x32xf32, #tpu.memory_space<vmem>>
    %dma_wait3A_56 = tpu.memref_squeeze %dma_wait3A_55 : memref<1x800x32xf32, #tpu.memory_space<vmem>> -> memref<800x32xf32, #tpu.memory_space<vmem>>
    %dma_wait3A_57 = arith.constant 0 : i32
    %dma_wait3A_58 = tpu.memref_slice %arg4[%add3A_38, %dma_wait3A_57] : memref<204800x32xf32, #tpu.memory_space<hbm>> -> memref<800x32xf32, #tpu.memory_space<hbm>>
    %dma_wait3A_59 = arith.constant 0 : i32
    %dma_wait3A_60 = tpu.memref_slice %arg4[%add3A_38, %dma_wait3A_59] : memref<204800x32xf32, #tpu.memory_space<hbm>> -> memref<800x32xf32, #tpu.memory_space<hbm>>
    %dma_wait3A_61 = arith.constant 0 : i32
    %dma_wait3A_62 = arith.constant 0 : i32
    %dma_wait3A_63 = tpu.memref_slice %arg6[%dma_wait3A_52, %dma_wait3A_61, %dma_wait3A_62] : memref<2x800x32xf32, #tpu.memory_space<vmem>> -> memref<1x800x32xf32, #tpu.memory_space<vmem>>
    %dma_wait3A_64 = tpu.memref_squeeze %dma_wait3A_63 : memref<1x800x32xf32, #tpu.memory_space<vmem>> -> memref<800x32xf32, #tpu.memory_space<vmem>>
    tpu.wait_dma2 semaphore(%arg9 : memref<!tpu.dma_semaphore, #tpu.memory_space<semaphore_mem>>) src(%dma_wait3A_64 : memref<800x32xf32, #tpu.memory_space<vmem>>) dst(%dma_wait3A_60 : memref<800x32xf32, #tpu.memory_space<hbm>>)
    %dma_start3A_65 = arith.constant 2 : i32
    %dma_start3A_66 = arith.constant 0 : i32
    %dma_start3A_67 = arith.constant 0 : i32
    %dma_start3A_68 = arith.constant 0 : i32
    %dma_start3A_69 = tpu.memref_slice %arg6[%dma_start3A_66, %dma_start3A_67, %dma_start3A_68] : memref<2x800x32xf32, #tpu.memory_space<vmem>> -> memref<1x800x32xf32, #tpu.memory_space<vmem>>
    %dma_start3A_70 = tpu.memref_squeeze %dma_start3A_69 : memref<1x800x32xf32, #tpu.memory_space<vmem>> -> memref<800x32xf32, #tpu.memory_space<vmem>>
    %dma_start3A_71 = arith.constant 0 : i32
    %dma_start3A_72 = tpu.memref_slice %arg5[%dma_start3A_65, %dma_start3A_71] : memref<8x800xi32, #tpu.memory_space<vmem>> -> memref<1x800xi32, #tpu.memory_space<vmem>>
    %dma_start3A_73 = tpu.memref_squeeze %dma_start3A_72 : memref<1x800xi32, #tpu.memory_space<vmem>> -> memref<800xi32, #tpu.memory_space<vmem>>
    %dma_start3A_74 = arith.constant 0 : i32
    %dma_start3A_75 = arith.constant 0 : i32
    %dma_start3A_76 = tpu.memref_slice %arg3[%dma_start3A_74, %dma_start3A_75] : memref<1000000x32xf32, #tpu.memory_space<hbm>> -> memref<1000000x32xf32, #tpu.memory_space<hbm>>
    tpu.enqueue_indirect_dma source(%dma_start3A_76 : memref<1000000x32xf32, #tpu.memory_space<hbm>>) target(%dma_start3A_70 : memref<800x32xf32, #tpu.memory_space<vmem>>) offsets(%dma_start3A_73 : memref<800xi32, #tpu.memory_space<vmem>>) semaphore(%arg7 : memref<!tpu.dma_semaphore, #tpu.memory_space<semaphore_mem>>)
    %dma_wait3A_77 = arith.constant 1 : i32
    %dma_wait3A_78 = arith.constant 1 : i32
    %dma_wait3A_79 = arith.constant 0 : i32
    %dma_wait3A_80 = arith.constant 0 : i32
    %dma_wait3A_81 = tpu.memref_slice %arg6[%dma_wait3A_78, %dma_wait3A_79, %dma_wait3A_80] : memref<2x800x32xf32, #tpu.memory_space<vmem>> -> memref<1x800x32xf32, #tpu.memory_space<vmem>>
    %dma_wait3A_82 = tpu.memref_squeeze %dma_wait3A_81 : memref<1x800x32xf32, #tpu.memory_space<vmem>> -> memref<800x32xf32, #tpu.memory_space<vmem>>
    %dma_wait3A_83 = arith.constant 0 : i32
    %dma_wait3A_84 = tpu.memref_slice %arg5[%dma_wait3A_77, %dma_wait3A_83] : memref<8x800xi32, #tpu.memory_space<vmem>> -> memref<1x800xi32, #tpu.memory_space<vmem>>
    %dma_wait3A_85 = tpu.memref_squeeze %dma_wait3A_84 : memref<1x800xi32, #tpu.memory_space<vmem>> -> memref<800xi32, #tpu.memory_space<vmem>>
    %dma_wait3A_86 = arith.constant 0 : i32
    %dma_wait3A_87 = arith.constant 0 : i32
    %dma_wait3A_88 = tpu.memref_slice %arg3[%dma_wait3A_86, %dma_wait3A_87] : memref<1000000x32xf32, #tpu.memory_space<hbm>> -> memref<1000000x32xf32, #tpu.memory_space<hbm>>
    tpu.wait_indirect_dma semaphore(%arg8 : memref<!tpu.dma_semaphore, #tpu.memory_space<semaphore_mem>>) src(%dma_wait3A_88 : memref<1000000x32xf32, #tpu.memory_space<hbm>>) dst(%dma_wait3A_82 : memref<800x32xf32, #tpu.memory_space<vmem>>)
    %add3A_89 = arith.constant 800 : i32
    %add3A_90 = arith.addi %mul3A_2, %add3A_89 : i32
    %dma_start3A_91 = arith.constant 1 : i32
    %dma_start3A_92 = arith.constant 0 : i32
    %dma_start3A_93 = arith.constant 0 : i32
    %dma_start3A_94 = tpu.memref_slice %arg6[%dma_start3A_91, %dma_start3A_92, %dma_start3A_93] : memref<2x800x32xf32, #tpu.memory_space<vmem>> -> memref<1x800x32xf32, #tpu.memory_space<vmem>>
    %dma_start3A_95 = tpu.memref_squeeze %dma_start3A_94 : memref<1x800x32xf32, #tpu.memory_space<vmem>> -> memref<800x32xf32, #tpu.memory_space<vmem>>
    %dma_start3A_96 = arith.constant 0 : i32
    %dma_start3A_97 = tpu.memref_slice %arg4[%add3A_90, %dma_start3A_96] : memref<204800x32xf32, #tpu.memory_space<hbm>> -> memref<800x32xf32, #tpu.memory_space<hbm>>
    %dma_start3A_98 = arith.constant 0 : i32
    %dma_start3A_99 = tpu.memref_slice %arg4[%add3A_90, %dma_start3A_98] : memref<204800x32xf32, #tpu.memory_space<hbm>> -> memref<800x32xf32, #tpu.memory_space<hbm>>
    %dma_start3A_100 = arith.constant 0 : i32
    %dma_start3A_101 = arith.constant 0 : i32
    %dma_start3A_102 = tpu.memref_slice %arg6[%dma_start3A_91, %dma_start3A_100, %dma_start3A_101] : memref<2x800x32xf32, #tpu.memory_space<vmem>> -> memref<1x800x32xf32, #tpu.memory_space<vmem>>
    %dma_start3A_103 = tpu.memref_squeeze %dma_start3A_102 : memref<1x800x32xf32, #tpu.memory_space<vmem>> -> memref<800x32xf32, #tpu.memory_space<vmem>>
    tpu.enqueue_dma source(%dma_start3A_103 : memref<800x32xf32, #tpu.memory_space<vmem>>) target(%dma_start3A_99 : memref<800x32xf32, #tpu.memory_space<hbm>>) target_semaphore(%arg10 : memref<!tpu.dma_semaphore, #tpu.memory_space<semaphore_mem>>)
    %dma_wait3A_104 = arith.constant 1 : i32
    %dma_wait3A_105 = arith.constant 0 : i32
    %dma_wait3A_106 = arith.constant 0 : i32
    %dma_wait3A_107 = tpu.memref_slice %arg6[%dma_wait3A_104, %dma_wait3A_105, %dma_wait3A_106] : memref<2x800x32xf32, #tpu.memory_space<vmem>> -> memref<1x800x32xf32, #tpu.memory_space<vmem>>
    %dma_wait3A_108 = tpu.memref_squeeze %dma_wait3A_107 : memref<1x800x32xf32, #tpu.memory_space<vmem>> -> memref<800x32xf32, #tpu.memory_space<vmem>>
    %dma_wait3A_109 = arith.constant 0 : i32
    %dma_wait3A_110 = tpu.memref_slice %arg4[%add3A_90, %dma_wait3A_109] : memref<204800x32xf32, #tpu.memory_space<hbm>> -> memref<800x32xf32, #tpu.memory_space<hbm>>
    %dma_wait3A_111 = arith.constant 0 : i32
    %dma_wait3A_112 = tpu.memref_slice %arg4[%add3A_90, %dma_wait3A_111] : memref<204800x32xf32, #tpu.memory_space<hbm>> -> memref<800x32xf32, #tpu.memory_space<hbm>>
    %dma_wait3A_113 = arith.constant 0 : i32
    %dma_wait3A_114 = arith.constant 0 : i32
    %dma_wait3A_115 = tpu.memref_slice %arg6[%dma_wait3A_104, %dma_wait3A_113, %dma_wait3A_114] : memref<2x800x32xf32, #tpu.memory_space<vmem>> -> memref<1x800x32xf32, #tpu.memory_space<vmem>>
    %dma_wait3A_116 = tpu.memref_squeeze %dma_wait3A_115 : memref<1x800x32xf32, #tpu.memory_space<vmem>> -> memref<800x32xf32, #tpu.memory_space<vmem>>
    tpu.wait_dma2 semaphore(%arg10 : memref<!tpu.dma_semaphore, #tpu.memory_space<semaphore_mem>>) src(%dma_wait3A_116 : memref<800x32xf32, #tpu.memory_space<vmem>>) dst(%dma_wait3A_112 : memref<800x32xf32, #tpu.memory_space<hbm>>)
    %dma_start3A_117 = arith.constant 3 : i32
    %dma_start3A_118 = arith.constant 1 : i32
    %dma_start3A_119 = arith.constant 0 : i32
    %dma_start3A_120 = arith.constant 0 : i32
    %dma_start3A_121 = tpu.memref_slice %arg6[%dma_start3A_118, %dma_start3A_119, %dma_start3A_120] : memref<2x800x32xf32, #tpu.memory_space<vmem>> -> memref<1x800x32xf32, #tpu.memory_space<vmem>>
    %dma_start3A_122 = tpu.memref_squeeze %dma_start3A_121 : memref<1x800x32xf32, #tpu.memory_space<vmem>> -> memref<800x32xf32, #tpu.memory_space<vmem>>
    %dma_start3A_123 = arith.constant 0 : i32
    %dma_start3A_124 = tpu.memref_slice %arg5[%dma_start3A_117, %dma_start3A_123] : memref<8x800xi32, #tpu.memory_space<vmem>> -> memref<1x800xi32, #tpu.memory_space<vmem>>
    %dma_start3A_125 = tpu.memref_squeeze %dma_start3A_124 : memref<1x800xi32, #tpu.memory_space<vmem>> -> memref<800xi32, #tpu.memory_space<vmem>>
    %dma_start3A_126 = arith.constant 0 : i32
    %dma_start3A_127 = arith.constant 0 : i32
    %dma_start3A_128 = tpu.memref_slice %arg3[%dma_start3A_126, %dma_start3A_127] : memref<1000000x32xf32, #tpu.memory_space<hbm>> -> memref<1000000x32xf32, #tpu.memory_space<hbm>>
    tpu.enqueue_indirect_dma source(%dma_start3A_128 : memref<1000000x32xf32, #tpu.memory_space<hbm>>) target(%dma_start3A_122 : memref<800x32xf32, #tpu.memory_space<vmem>>) offsets(%dma_start3A_125 : memref<800xi32, #tpu.memory_space<vmem>>) semaphore(%arg8 : memref<!tpu.dma_semaphore, #tpu.memory_space<semaphore_mem>>)
    %dma_wait3A_129 = arith.constant 2 : i32
    %dma_wait3A_130 = arith.constant 0 : i32
    %dma_wait3A_131 = arith.constant 0 : i32
    %dma_wait3A_132 = arith.constant 0 : i32
    %dma_wait3A_133 = tpu.memref_slice %arg6[%dma_wait3A_130, %dma_wait3A_131, %dma_wait3A_132] : memref<2x800x32xf32, #tpu.memory_space<vmem>> -> memref<1x800x32xf32, #tpu.memory_space<vmem>>
    %dma_wait3A_134 = tpu.memref_squeeze %dma_wait3A_133 : memref<1x800x32xf32, #tpu.memory_space<vmem>> -> memref<800x32xf32, #tpu.memory_space<vmem>>
    %dma_wait3A_135 = arith.constant 0 : i32
    %dma_wait3A_136 = tpu.memref_slice %arg5[%dma_wait3A_129, %dma_wait3A_135] : memref<8x800xi32, #tpu.memory_space<vmem>> -> memref<1x800xi32, #tpu.memory_space<vmem>>
    %dma_wait3A_137 = tpu.memref_squeeze %dma_wait3A_136 : memref<1x800xi32, #tpu.memory_space<vmem>> -> memref<800xi32, #tpu.memory_space<vmem>>
    %dma_wait3A_138 = arith.constant 0 : i32
    %dma_wait3A_139 = arith.constant 0 : i32
    %dma_wait3A_140 = tpu.memref_slice %arg3[%dma_wait3A_138, %dma_wait3A_139] : memref<1000000x32xf32, #tpu.memory_space<hbm>> -> memref<1000000x32xf32, #tpu.memory_space<hbm>>
    tpu.wait_indirect_dma semaphore(%arg7 : memref<!tpu.dma_semaphore, #tpu.memory_space<semaphore_mem>>) src(%dma_wait3A_140 : memref<1000000x32xf32, #tpu.memory_space<hbm>>) dst(%dma_wait3A_134 : memref<800x32xf32, #tpu.memory_space<vmem>>)
    %add3A_141 = arith.constant 1600 : i32
    %add3A_142 = arith.addi %mul3A_2, %add3A_141 : i32
    %dma_start3A_143 = arith.constant 0 : i32
    %dma_start3A_144 = arith.constant 0 : i32
    %dma_start3A_145 = arith.constant 0 : i32
    %dma_start3A_146 = tpu.memref_slice %arg6[%dma_start3A_143, %dma_start3A_144, %dma_start3A_145] : memref<2x800x32xf32, #tpu.memory_space<vmem>> -> memref<1x800x32xf32, #tpu.memory_space<vmem>>
    %dma_start3A_147 = tpu.memref_squeeze %dma_start3A_146 : memref<1x800x32xf32, #tpu.memory_space<vmem>> -> memref<800x32xf32, #tpu.memory_space<vmem>>
    %dma_start3A_148 = arith.constant 0 : i32
    %dma_start3A_149 = tpu.memref_slice %arg4[%add3A_142, %dma_start3A_148] : memref<204800x32xf32, #tpu.memory_space<hbm>> -> memref<800x32xf32, #tpu.memory_space<hbm>>
    %dma_start3A_150 = arith.constant 0 : i32
    %dma_start3A_151 = tpu.memref_slice %arg4[%add3A_142, %dma_start3A_150] : memref<204800x32xf32, #tpu.memory_space<hbm>> -> memref<800x32xf32, #tpu.memory_space<hbm>>
    %dma_start3A_152 = arith.constant 0 : i32
    %dma_start3A_153 = arith.constant 0 : i32
    %dma_start3A_154 = tpu.memref_slice %arg6[%dma_start3A_143, %dma_start3A_152, %dma_start3A_153] : memref<2x800x32xf32, #tpu.memory_space<vmem>> -> memref<1x800x32xf32, #tpu.memory_space<vmem>>
    %dma_start3A_155 = tpu.memref_squeeze %dma_start3A_154 : memref<1x800x32xf32, #tpu.memory_space<vmem>> -> memref<800x32xf32, #tpu.memory_space<vmem>>
    tpu.enqueue_dma source(%dma_start3A_155 : memref<800x32xf32, #tpu.memory_space<vmem>>) target(%dma_start3A_151 : memref<800x32xf32, #tpu.memory_space<hbm>>) target_semaphore(%arg9 : memref<!tpu.dma_semaphore, #tpu.memory_space<semaphore_mem>>)
    %dma_wait3A_156 = arith.constant 0 : i32
    %dma_wait3A_157 = arith.constant 0 : i32
    %dma_wait3A_158 = arith.constant 0 : i32
    %dma_wait3A_159 = tpu.memref_slice %arg6[%dma_wait3A_156, %dma_wait3A_157, %dma_wait3A_158] : memref<2x800x32xf32, #tpu.memory_space<vmem>> -> memref<1x800x32xf32, #tpu.memory_space<vmem>>
    %dma_wait3A_160 = tpu.memref_squeeze %dma_wait3A_159 : memref<1x800x32xf32, #tpu.memory_space<vmem>> -> memref<800x32xf32, #tpu.memory_space<vmem>>
    %dma_wait3A_161 = arith.constant 0 : i32
    %dma_wait3A_162 = tpu.memref_slice %arg4[%add3A_142, %dma_wait3A_161] : memref<204800x32xf32, #tpu.memory_space<hbm>> -> memref<800x32xf32, #tpu.memory_space<hbm>>
    %dma_wait3A_163 = arith.constant 0 : i32
    %dma_wait3A_164 = tpu.memref_slice %arg4[%add3A_142, %dma_wait3A_163] : memref<204800x32xf32, #tpu.memory_space<hbm>> -> memref<800x32xf32, #tpu.memory_space<hbm>>
    %dma_wait3A_165 = arith.constant 0 : i32
    %dma_wait3A_166 = arith.constant 0 : i32
    %dma_wait3A_167 = tpu.memref_slice %arg6[%dma_wait3A_156, %dma_wait3A_165, %dma_wait3A_166] : memref<2x800x32xf32, #tpu.memory_space<vmem>> -> memref<1x800x32xf32, #tpu.memory_space<vmem>>
    %dma_wait3A_168 = tpu.memref_squeeze %dma_wait3A_167 : memref<1x800x32xf32, #tpu.memory_space<vmem>> -> memref<800x32xf32, #tpu.memory_space<vmem>>
    tpu.wait_dma2 semaphore(%arg9 : memref<!tpu.dma_semaphore, #tpu.memory_space<semaphore_mem>>) src(%dma_wait3A_168 : memref<800x32xf32, #tpu.memory_space<vmem>>) dst(%dma_wait3A_164 : memref<800x32xf32, #tpu.memory_space<hbm>>)
    %dma_start3A_169 = arith.constant 4 : i32
    %dma_start3A_170 = arith.constant 0 : i32
    %dma_start3A_171 = arith.constant 0 : i32
    %dma_start3A_172 = arith.constant 0 : i32
    %dma_start3A_173 = tpu.memref_slice %arg6[%dma_start3A_170, %dma_start3A_171, %dma_start3A_172] : memref<2x800x32xf32, #tpu.memory_space<vmem>> -> memref<1x800x32xf32, #tpu.memory_space<vmem>>
    %dma_start3A_174 = tpu.memref_squeeze %dma_start3A_173 : memref<1x800x32xf32, #tpu.memory_space<vmem>> -> memref<800x32xf32, #tpu.memory_space<vmem>>
    %dma_start3A_175 = arith.constant 0 : i32
    %dma_start3A_176 = tpu.memref_slice %arg5[%dma_start3A_169, %dma_start3A_175] : memref<8x800xi32, #tpu.memory_space<vmem>> -> memref<1x800xi32, #tpu.memory_space<vmem>>
    %dma_start3A_177 = tpu.memref_squeeze %dma_start3A_176 : memref<1x800xi32, #tpu.memory_space<vmem>> -> memref<800xi32, #tpu.memory_space<vmem>>
    %dma_start3A_178 = arith.constant 0 : i32
    %dma_start3A_179 = arith.constant 0 : i32
    %dma_start3A_180 = tpu.memref_slice %arg3[%dma_start3A_178, %dma_start3A_179] : memref<1000000x32xf32, #tpu.memory_space<hbm>> -> memref<1000000x32xf32, #tpu.memory_space<hbm>>
    tpu.enqueue_indirect_dma source(%dma_start3A_180 : memref<1000000x32xf32, #tpu.memory_space<hbm>>) target(%dma_start3A_174 : memref<800x32xf32, #tpu.memory_space<vmem>>) offsets(%dma_start3A_177 : memref<800xi32, #tpu.memory_space<vmem>>) semaphore(%arg7 : memref<!tpu.dma_semaphore, #tpu.memory_space<semaphore_mem>>)
    %dma_wait3A_181 = arith.constant 3 : i32
    %dma_wait3A_182 = arith.constant 1 : i32
    %dma_wait3A_183 = arith.constant 0 : i32
    %dma_wait3A_184 = arith.constant 0 : i32
    %dma_wait3A_185 = tpu.memref_slice %arg6[%dma_wait3A_182, %dma_wait3A_183, %dma_wait3A_184] : memref<2x800x32xf32, #tpu.memory_space<vmem>> -> memref<1x800x32xf32, #tpu.memory_space<vmem>>
    %dma_wait3A_186 = tpu.memref_squeeze %dma_wait3A_185 : memref<1x800x32xf32, #tpu.memory_space<vmem>> -> memref<800x32xf32, #tpu.memory_space<vmem>>
    %dma_wait3A_187 = arith.constant 0 : i32
    %dma_wait3A_188 = tpu.memref_slice %arg5[%dma_wait3A_181, %dma_wait3A_187] : memref<8x800xi32, #tpu.memory_space<vmem>> -> memref<1x800xi32, #tpu.memory_space<vmem>>
    %dma_wait3A_189 = tpu.memref_squeeze %dma_wait3A_188 : memref<1x800xi32, #tpu.memory_space<vmem>> -> memref<800xi32, #tpu.memory_space<vmem>>
    %dma_wait3A_190 = arith.constant 0 : i32
    %dma_wait3A_191 = arith.constant 0 : i32
    %dma_wait3A_192 = tpu.memref_slice %arg3[%dma_wait3A_190, %dma_wait3A_191] : memref<1000000x32xf32, #tpu.memory_space<hbm>> -> memref<1000000x32xf32, #tpu.memory_space<hbm>>
    tpu.wait_indirect_dma semaphore(%arg8 : memref<!tpu.dma_semaphore, #tpu.memory_space<semaphore_mem>>) src(%dma_wait3A_192 : memref<1000000x32xf32, #tpu.memory_space<hbm>>) dst(%dma_wait3A_186 : memref<800x32xf32, #tpu.memory_space<vmem>>)
    %add3A_193 = arith.constant 2400 : i32
    %add3A_194 = arith.addi %mul3A_2, %add3A_193 : i32
    %dma_start3A_195 = arith.constant 1 : i32
    %dma_start3A_196 = arith.constant 0 : i32
    %dma_start3A_197 = arith.constant 0 : i32
    %dma_start3A_198 = tpu.memref_slice %arg6[%dma_start3A_195, %dma_start3A_196, %dma_start3A_197] : memref<2x800x32xf32, #tpu.memory_space<vmem>> -> memref<1x800x32xf32, #tpu.memory_space<vmem>>
    %dma_start3A_199 = tpu.memref_squeeze %dma_start3A_198 : memref<1x800x32xf32, #tpu.memory_space<vmem>> -> memref<800x32xf32, #tpu.memory_space<vmem>>
    %dma_start3A_200 = arith.constant 0 : i32
    %dma_start3A_201 = tpu.memref_slice %arg4[%add3A_194, %dma_start3A_200] : memref<204800x32xf32, #tpu.memory_space<hbm>> -> memref<800x32xf32, #tpu.memory_space<hbm>>
    %dma_start3A_202 = arith.constant 0 : i32
    %dma_start3A_203 = tpu.memref_slice %arg4[%add3A_194, %dma_start3A_202] : memref<204800x32xf32, #tpu.memory_space<hbm>> -> memref<800x32xf32, #tpu.memory_space<hbm>>
    %dma_start3A_204 = arith.constant 0 : i32
    %dma_start3A_205 = arith.constant 0 : i32
    %dma_start3A_206 = tpu.memref_slice %arg6[%dma_start3A_195, %dma_start3A_204, %dma_start3A_205] : memref<2x800x32xf32, #tpu.memory_space<vmem>> -> memref<1x800x32xf32, #tpu.memory_space<vmem>>
    %dma_start3A_207 = tpu.memref_squeeze %dma_start3A_206 : memref<1x800x32xf32, #tpu.memory_space<vmem>> -> memref<800x32xf32, #tpu.memory_space<vmem>>
    tpu.enqueue_dma source(%dma_start3A_207 : memref<800x32xf32, #tpu.memory_space<vmem>>) target(%dma_start3A_203 : memref<800x32xf32, #tpu.memory_space<hbm>>) target_semaphore(%arg10 : memref<!tpu.dma_semaphore, #tpu.memory_space<semaphore_mem>>)
    %dma_wait3A_208 = arith.constant 1 : i32
    %dma_wait3A_209 = arith.constant 0 : i32
    %dma_wait3A_210 = arith.constant 0 : i32
    %dma_wait3A_211 = tpu.memref_slice %arg6[%dma_wait3A_208, %dma_wait3A_209, %dma_wait3A_210] : memref<2x800x32xf32, #tpu.memory_space<vmem>> -> memref<1x800x32xf32, #tpu.memory_space<vmem>>
    %dma_wait3A_212 = tpu.memref_squeeze %dma_wait3A_211 : memref<1x800x32xf32, #tpu.memory_space<vmem>> -> memref<800x32xf32, #tpu.memory_space<vmem>>
    %dma_wait3A_213 = arith.constant 0 : i32
    %dma_wait3A_214 = tpu.memref_slice %arg4[%add3A_194, %dma_wait3A_213] : memref<204800x32xf32, #tpu.memory_space<hbm>> -> memref<800x32xf32, #tpu.memory_space<hbm>>
    %dma_wait3A_215 = arith.constant 0 : i32
    %dma_wait3A_216 = tpu.memref_slice %arg4[%add3A_194, %dma_wait3A_215] : memref<204800x32xf32, #tpu.memory_space<hbm>> -> memref<800x32xf32, #tpu.memory_space<hbm>>
    %dma_wait3A_217 = arith.constant 0 : i32
    %dma_wait3A_218 = arith.constant 0 : i32
    %dma_wait3A_219 = tpu.memref_slice %arg6[%dma_wait3A_208, %dma_wait3A_217, %dma_wait3A_218] : memref<2x800x32xf32, #tpu.memory_space<vmem>> -> memref<1x800x32xf32, #tpu.memory_space<vmem>>
    %dma_wait3A_220 = tpu.memref_squeeze %dma_wait3A_219 : memref<1x800x32xf32, #tpu.memory_space<vmem>> -> memref<800x32xf32, #tpu.memory_space<vmem>>
    tpu.wait_dma2 semaphore(%arg10 : memref<!tpu.dma_semaphore, #tpu.memory_space<semaphore_mem>>) src(%dma_wait3A_220 : memref<800x32xf32, #tpu.memory_space<vmem>>) dst(%dma_wait3A_216 : memref<800x32xf32, #tpu.memory_space<hbm>>)
    %dma_start3A_221 = arith.constant 5 : i32
    %dma_start3A_222 = arith.constant 1 : i32
    %dma_start3A_223 = arith.constant 0 : i32
    %dma_start3A_224 = arith.constant 0 : i32
    %dma_start3A_225 = tpu.memref_slice %arg6[%dma_start3A_222, %dma_start3A_223, %dma_start3A_224] : memref<2x800x32xf32, #tpu.memory_space<vmem>> -> memref<1x800x32xf32, #tpu.memory_space<vmem>>
    %dma_start3A_226 = tpu.memref_squeeze %dma_start3A_225 : memref<1x800x32xf32, #tpu.memory_space<vmem>> -> memref<800x32xf32, #tpu.memory_space<vmem>>
    %dma_start3A_227 = arith.constant 0 : i32
    %dma_start3A_228 = tpu.memref_slice %arg5[%dma_start3A_221, %dma_start3A_227] : memref<8x800xi32, #tpu.memory_space<vmem>> -> memref<1x800xi32, #tpu.memory_space<vmem>>
    %dma_start3A_229 = tpu.memref_squeeze %dma_start3A_228 : memref<1x800xi32, #tpu.memory_space<vmem>> -> memref<800xi32, #tpu.memory_space<vmem>>
    %dma_start3A_230 = arith.constant 0 : i32
    %dma_start3A_231 = arith.constant 0 : i32
    %dma_start3A_232 = tpu.memref_slice %arg3[%dma_start3A_230, %dma_start3A_231] : memref<1000000x32xf32, #tpu.memory_space<hbm>> -> memref<1000000x32xf32, #tpu.memory_space<hbm>>
    tpu.enqueue_indirect_dma source(%dma_start3A_232 : memref<1000000x32xf32, #tpu.memory_space<hbm>>) target(%dma_start3A_226 : memref<800x32xf32, #tpu.memory_space<vmem>>) offsets(%dma_start3A_229 : memref<800xi32, #tpu.memory_space<vmem>>) semaphore(%arg8 : memref<!tpu.dma_semaphore, #tpu.memory_space<semaphore_mem>>)
    %dma_wait3A_233 = arith.constant 4 : i32
    %dma_wait3A_234 = arith.constant 0 : i32
    %dma_wait3A_235 = arith.constant 0 : i32
    %dma_wait3A_236 = arith.constant 0 : i32
    %dma_wait3A_237 = tpu.memref_slice %arg6[%dma_wait3A_234, %dma_wait3A_235, %dma_wait3A_236] : memref<2x800x32xf32, #tpu.memory_space<vmem>> -> memref<1x800x32xf32, #tpu.memory_space<vmem>>
    %dma_wait3A_238 = tpu.memref_squeeze %dma_wait3A_237 : memref<1x800x32xf32, #tpu.memory_space<vmem>> -> memref<800x32xf32, #tpu.memory_space<vmem>>
    %dma_wait3A_239 = arith.constant 0 : i32
    %dma_wait3A_240 = tpu.memref_slice %arg5[%dma_wait3A_233, %dma_wait3A_239] : memref<8x800xi32, #tpu.memory_space<vmem>> -> memref<1x800xi32, #tpu.memory_space<vmem>>
    %dma_wait3A_241 = tpu.memref_squeeze %dma_wait3A_240 : memref<1x800xi32, #tpu.memory_space<vmem>> -> memref<800xi32, #tpu.memory_space<vmem>>
    %dma_wait3A_242 = arith.constant 0 : i32
    %dma_wait3A_243 = arith.constant 0 : i32
    %dma_wait3A_244 = tpu.memref_slice %arg3[%dma_wait3A_242, %dma_wait3A_243] : memref<1000000x32xf32, #tpu.memory_space<hbm>> -> memref<1000000x32xf32, #tpu.memory_space<hbm>>
    tpu.wait_indirect_dma semaphore(%arg7 : memref<!tpu.dma_semaphore, #tpu.memory_space<semaphore_mem>>) src(%dma_wait3A_244 : memref<1000000x32xf32, #tpu.memory_space<hbm>>) dst(%dma_wait3A_238 : memref<800x32xf32, #tpu.memory_space<vmem>>)
    %add3A_245 = arith.constant 3200 : i32
    %add3A_246 = arith.addi %mul3A_2, %add3A_245 : i32
    %dma_start3A_247 = arith.constant 0 : i32
    %dma_start3A_248 = arith.constant 0 : i32
    %dma_start3A_249 = arith.constant 0 : i32
    %dma_start3A_250 = tpu.memref_slice %arg6[%dma_start3A_247, %dma_start3A_248, %dma_start3A_249] : memref<2x800x32xf32, #tpu.memory_space<vmem>> -> memref<1x800x32xf32, #tpu.memory_space<vmem>>
    %dma_start3A_251 = tpu.memref_squeeze %dma_start3A_250 : memref<1x800x32xf32, #tpu.memory_space<vmem>> -> memref<800x32xf32, #tpu.memory_space<vmem>>
    %dma_start3A_252 = arith.constant 0 : i32
    %dma_start3A_253 = tpu.memref_slice %arg4[%add3A_246, %dma_start3A_252] : memref<204800x32xf32, #tpu.memory_space<hbm>> -> memref<800x32xf32, #tpu.memory_space<hbm>>
    %dma_start3A_254 = arith.constant 0 : i32
    %dma_start3A_255 = tpu.memref_slice %arg4[%add3A_246, %dma_start3A_254] : memref<204800x32xf32, #tpu.memory_space<hbm>> -> memref<800x32xf32, #tpu.memory_space<hbm>>
    %dma_start3A_256 = arith.constant 0 : i32
    %dma_start3A_257 = arith.constant 0 : i32
    %dma_start3A_258 = tpu.memref_slice %arg6[%dma_start3A_247, %dma_start3A_256, %dma_start3A_257] : memref<2x800x32xf32, #tpu.memory_space<vmem>> -> memref<1x800x32xf32, #tpu.memory_space<vmem>>
    %dma_start3A_259 = tpu.memref_squeeze %dma_start3A_258 : memref<1x800x32xf32, #tpu.memory_space<vmem>> -> memref<800x32xf32, #tpu.memory_space<vmem>>
    tpu.enqueue_dma source(%dma_start3A_259 : memref<800x32xf32, #tpu.memory_space<vmem>>) target(%dma_start3A_255 : memref<800x32xf32, #tpu.memory_space<hbm>>) target_semaphore(%arg9 : memref<!tpu.dma_semaphore, #tpu.memory_space<semaphore_mem>>)
    %dma_wait3A_260 = arith.constant 0 : i32
    %dma_wait3A_261 = arith.constant 0 : i32
    %dma_wait3A_262 = arith.constant 0 : i32
    %dma_wait3A_263 = tpu.memref_slice %arg6[%dma_wait3A_260, %dma_wait3A_261, %dma_wait3A_262] : memref<2x800x32xf32, #tpu.memory_space<vmem>> -> memref<1x800x32xf32, #tpu.memory_space<vmem>>
    %dma_wait3A_264 = tpu.memref_squeeze %dma_wait3A_263 : memref<1x800x32xf32, #tpu.memory_space<vmem>> -> memref<800x32xf32, #tpu.memory_space<vmem>>
    %dma_wait3A_265 = arith.constant 0 : i32
    %dma_wait3A_266 = tpu.memref_slice %arg4[%add3A_246, %dma_wait3A_265] : memref<204800x32xf32, #tpu.memory_space<hbm>> -> memref<800x32xf32, #tpu.memory_space<hbm>>
    %dma_wait3A_267 = arith.constant 0 : i32
    %dma_wait3A_268 = tpu.memref_slice %arg4[%add3A_246, %dma_wait3A_267] : memref<204800x32xf32, #tpu.memory_space<hbm>> -> memref<800x32xf32, #tpu.memory_space<hbm>>
    %dma_wait3A_269 = arith.constant 0 : i32
    %dma_wait3A_270 = arith.constant 0 : i32
    %dma_wait3A_271 = tpu.memref_slice %arg6[%dma_wait3A_260, %dma_wait3A_269, %dma_wait3A_270] : memref<2x800x32xf32, #tpu.memory_space<vmem>> -> memref<1x800x32xf32, #tpu.memory_space<vmem>>
    %dma_wait3A_272 = tpu.memref_squeeze %dma_wait3A_271 : memref<1x800x32xf32, #tpu.memory_space<vmem>> -> memref<800x32xf32, #tpu.memory_space<vmem>>
    tpu.wait_dma2 semaphore(%arg9 : memref<!tpu.dma_semaphore, #tpu.memory_space<semaphore_mem>>) src(%dma_wait3A_272 : memref<800x32xf32, #tpu.memory_space<vmem>>) dst(%dma_wait3A_268 : memref<800x32xf32, #tpu.memory_space<hbm>>)
    %dma_start3A_273 = arith.constant 6 : i32
    %dma_start3A_274 = arith.constant 0 : i32
    %dma_start3A_275 = arith.constant 0 : i32
    %dma_start3A_276 = arith.constant 0 : i32
    %dma_start3A_277 = tpu.memref_slice %arg6[%dma_start3A_274, %dma_start3A_275, %dma_start3A_276] : memref<2x800x32xf32, #tpu.memory_space<vmem>> -> memref<1x800x32xf32, #tpu.memory_space<vmem>>
    %dma_start3A_278 = tpu.memref_squeeze %dma_start3A_277 : memref<1x800x32xf32, #tpu.memory_space<vmem>> -> memref<800x32xf32, #tpu.memory_space<vmem>>
    %dma_start3A_279 = arith.constant 0 : i32
    %dma_start3A_280 = tpu.memref_slice %arg5[%dma_start3A_273, %dma_start3A_279] : memref<8x800xi32, #tpu.memory_space<vmem>> -> memref<1x800xi32, #tpu.memory_space<vmem>>
    %dma_start3A_281 = tpu.memref_squeeze %dma_start3A_280 : memref<1x800xi32, #tpu.memory_space<vmem>> -> memref<800xi32, #tpu.memory_space<vmem>>
    %dma_start3A_282 = arith.constant 0 : i32
    %dma_start3A_283 = arith.constant 0 : i32
    %dma_start3A_284 = tpu.memref_slice %arg3[%dma_start3A_282, %dma_start3A_283] : memref<1000000x32xf32, #tpu.memory_space<hbm>> -> memref<1000000x32xf32, #tpu.memory_space<hbm>>
    tpu.enqueue_indirect_dma source(%dma_start3A_284 : memref<1000000x32xf32, #tpu.memory_space<hbm>>) target(%dma_start3A_278 : memref<800x32xf32, #tpu.memory_space<vmem>>) offsets(%dma_start3A_281 : memref<800xi32, #tpu.memory_space<vmem>>) semaphore(%arg7 : memref<!tpu.dma_semaphore, #tpu.memory_space<semaphore_mem>>)
    %dma_wait3A_285 = arith.constant 5 : i32
    %dma_wait3A_286 = arith.constant 1 : i32
    %dma_wait3A_287 = arith.constant 0 : i32
    %dma_wait3A_288 = arith.constant 0 : i32
    %dma_wait3A_289 = tpu.memref_slice %arg6[%dma_wait3A_286, %dma_wait3A_287, %dma_wait3A_288] : memref<2x800x32xf32, #tpu.memory_space<vmem>> -> memref<1x800x32xf32, #tpu.memory_space<vmem>>
    %dma_wait3A_290 = tpu.memref_squeeze %dma_wait3A_289 : memref<1x800x32xf32, #tpu.memory_space<vmem>> -> memref<800x32xf32, #tpu.memory_space<vmem>>
    %dma_wait3A_291 = arith.constant 0 : i32
    %dma_wait3A_292 = tpu.memref_slice %arg5[%dma_wait3A_285, %dma_wait3A_291] : memref<8x800xi32, #tpu.memory_space<vmem>> -> memref<1x800xi32, #tpu.memory_space<vmem>>
    %dma_wait3A_293 = tpu.memref_squeeze %dma_wait3A_292 : memref<1x800xi32, #tpu.memory_space<vmem>> -> memref<800xi32, #tpu.memory_space<vmem>>
    %dma_wait3A_294 = arith.constant 0 : i32
    %dma_wait3A_295 = arith.constant 0 : i32
    %dma_wait3A_296 = tpu.memref_slice %arg3[%dma_wait3A_294, %dma_wait3A_295] : memref<1000000x32xf32, #tpu.memory_space<hbm>> -> memref<1000000x32xf32, #tpu.memory_space<hbm>>
    tpu.wait_indirect_dma semaphore(%arg8 : memref<!tpu.dma_semaphore, #tpu.memory_space<semaphore_mem>>) src(%dma_wait3A_296 : memref<1000000x32xf32, #tpu.memory_space<hbm>>) dst(%dma_wait3A_290 : memref<800x32xf32, #tpu.memory_space<vmem>>)
    %add3A_297 = arith.constant 4000 : i32
    %add3A_298 = arith.addi %mul3A_2, %add3A_297 : i32
    %dma_start3A_299 = arith.constant 1 : i32
    %dma_start3A_300 = arith.constant 0 : i32
    %dma_start3A_301 = arith.constant 0 : i32
    %dma_start3A_302 = tpu.memref_slice %arg6[%dma_start3A_299, %dma_start3A_300, %dma_start3A_301] : memref<2x800x32xf32, #tpu.memory_space<vmem>> -> memref<1x800x32xf32, #tpu.memory_space<vmem>>
    %dma_start3A_303 = tpu.memref_squeeze %dma_start3A_302 : memref<1x800x32xf32, #tpu.memory_space<vmem>> -> memref<800x32xf32, #tpu.memory_space<vmem>>
    %dma_start3A_304 = arith.constant 0 : i32
    %dma_start3A_305 = tpu.memref_slice %arg4[%add3A_298, %dma_start3A_304] : memref<204800x32xf32, #tpu.memory_space<hbm>> -> memref<800x32xf32, #tpu.memory_space<hbm>>
    %dma_start3A_306 = arith.constant 0 : i32
    %dma_start3A_307 = tpu.memref_slice %arg4[%add3A_298, %dma_start3A_306] : memref<204800x32xf32, #tpu.memory_space<hbm>> -> memref<800x32xf32, #tpu.memory_space<hbm>>
    %dma_start3A_308 = arith.constant 0 : i32
    %dma_start3A_309 = arith.constant 0 : i32
    %dma_start3A_310 = tpu.memref_slice %arg6[%dma_start3A_299, %dma_start3A_308, %dma_start3A_309] : memref<2x800x32xf32, #tpu.memory_space<vmem>> -> memref<1x800x32xf32, #tpu.memory_space<vmem>>
    %dma_start3A_311 = tpu.memref_squeeze %dma_start3A_310 : memref<1x800x32xf32, #tpu.memory_space<vmem>> -> memref<800x32xf32, #tpu.memory_space<vmem>>
    tpu.enqueue_dma source(%dma_start3A_311 : memref<800x32xf32, #tpu.memory_space<vmem>>) target(%dma_start3A_307 : memref<800x32xf32, #tpu.memory_space<hbm>>) target_semaphore(%arg10 : memref<!tpu.dma_semaphore, #tpu.memory_space<semaphore_mem>>)
    %dma_wait3A_312 = arith.constant 1 : i32
    %dma_wait3A_313 = arith.constant 0 : i32
    %dma_wait3A_314 = arith.constant 0 : i32
    %dma_wait3A_315 = tpu.memref_slice %arg6[%dma_wait3A_312, %dma_wait3A_313, %dma_wait3A_314] : memref<2x800x32xf32, #tpu.memory_space<vmem>> -> memref<1x800x32xf32, #tpu.memory_space<vmem>>
    %dma_wait3A_316 = tpu.memref_squeeze %dma_wait3A_315 : memref<1x800x32xf32, #tpu.memory_space<vmem>> -> memref<800x32xf32, #tpu.memory_space<vmem>>
    %dma_wait3A_317 = arith.constant 0 : i32
    %dma_wait3A_318 = tpu.memref_slice %arg4[%add3A_298, %dma_wait3A_317] : memref<204800x32xf32, #tpu.memory_space<hbm>> -> memref<800x32xf32, #tpu.memory_space<hbm>>
    %dma_wait3A_319 = arith.constant 0 : i32
    %dma_wait3A_320 = tpu.memref_slice %arg4[%add3A_298, %dma_wait3A_319] : memref<204800x32xf32, #tpu.memory_space<hbm>> -> memref<800x32xf32, #tpu.memory_space<hbm>>
    %dma_wait3A_321 = arith.constant 0 : i32
    %dma_wait3A_322 = arith.constant 0 : i32
    %dma_wait3A_323 = tpu.memref_slice %arg6[%dma_wait3A_312, %dma_wait3A_321, %dma_wait3A_322] : memref<2x800x32xf32, #tpu.memory_space<vmem>> -> memref<1x800x32xf32, #tpu.memory_space<vmem>>
    %dma_wait3A_324 = tpu.memref_squeeze %dma_wait3A_323 : memref<1x800x32xf32, #tpu.memory_space<vmem>> -> memref<800x32xf32, #tpu.memory_space<vmem>>
    tpu.wait_dma2 semaphore(%arg10 : memref<!tpu.dma_semaphore, #tpu.memory_space<semaphore_mem>>) src(%dma_wait3A_324 : memref<800x32xf32, #tpu.memory_space<vmem>>) dst(%dma_wait3A_320 : memref<800x32xf32, #tpu.memory_space<hbm>>)
    %dma_start3A_325 = arith.constant 7 : i32
    %dma_start3A_326 = arith.constant 1 : i32
    %dma_start3A_327 = arith.constant 0 : i32
    %dma_start3A_328 = arith.constant 0 : i32
    %dma_start3A_329 = tpu.memref_slice %arg6[%dma_start3A_326, %dma_start3A_327, %dma_start3A_328] : memref<2x800x32xf32, #tpu.memory_space<vmem>> -> memref<1x800x32xf32, #tpu.memory_space<vmem>>
    %dma_start3A_330 = tpu.memref_squeeze %dma_start3A_329 : memref<1x800x32xf32, #tpu.memory_space<vmem>> -> memref<800x32xf32, #tpu.memory_space<vmem>>
    %dma_start3A_331 = arith.constant 0 : i32
    %dma_start3A_332 = tpu.memref_slice %arg5[%dma_start3A_325, %dma_start3A_331] : memref<8x800xi32, #tpu.memory_space<vmem>> -> memref<1x800xi32, #tpu.memory_space<vmem>>
    %dma_start3A_333 = tpu.memref_squeeze %dma_start3A_332 : memref<1x800xi32, #tpu.memory_space<vmem>> -> memref<800xi32, #tpu.memory_space<vmem>>
    %dma_start3A_334 = arith.constant 0 : i32
    %dma_start3A_335 = arith.constant 0 : i32
    %dma_start3A_336 = tpu.memref_slice %arg3[%dma_start3A_334, %dma_start3A_335] : memref<1000000x32xf32, #tpu.memory_space<hbm>> -> memref<1000000x32xf32, #tpu.memory_space<hbm>>
    tpu.enqueue_indirect_dma source(%dma_start3A_336 : memref<1000000x32xf32, #tpu.memory_space<hbm>>) target(%dma_start3A_330 : memref<800x32xf32, #tpu.memory_space<vmem>>) offsets(%dma_start3A_333 : memref<800xi32, #tpu.memory_space<vmem>>) semaphore(%arg8 : memref<!tpu.dma_semaphore, #tpu.memory_space<semaphore_mem>>)
    %dma_wait3A_337 = arith.constant 6 : i32
    %dma_wait3A_338 = arith.constant 0 : i32
    %dma_wait3A_339 = arith.constant 0 : i32
    %dma_wait3A_340 = arith.constant 0 : i32
    %dma_wait3A_341 = tpu.memref_slice %arg6[%dma_wait3A_338, %dma_wait3A_339, %dma_wait3A_340] : memref<2x800x32xf32, #tpu.memory_space<vmem>> -> memref<1x800x32xf32, #tpu.memory_space<vmem>>
    %dma_wait3A_342 = tpu.memref_squeeze %dma_wait3A_341 : memref<1x800x32xf32, #tpu.memory_space<vmem>> -> memref<800x32xf32, #tpu.memory_space<vmem>>
    %dma_wait3A_343 = arith.constant 0 : i32
    %dma_wait3A_344 = tpu.memref_slice %arg5[%dma_wait3A_337, %dma_wait3A_343] : memref<8x800xi32, #tpu.memory_space<vmem>> -> memref<1x800xi32, #tpu.memory_space<vmem>>
    %dma_wait3A_345 = tpu.memref_squeeze %dma_wait3A_344 : memref<1x800xi32, #tpu.memory_space<vmem>> -> memref<800xi32, #tpu.memory_space<vmem>>
    %dma_wait3A_346 = arith.constant 0 : i32
    %dma_wait3A_347 = arith.constant 0 : i32
    %dma_wait3A_348 = tpu.memref_slice %arg3[%dma_wait3A_346, %dma_wait3A_347] : memref<1000000x32xf32, #tpu.memory_space<hbm>> -> memref<1000000x32xf32, #tpu.memory_space<hbm>>
    tpu.wait_indirect_dma semaphore(%arg7 : memref<!tpu.dma_semaphore, #tpu.memory_space<semaphore_mem>>) src(%dma_wait3A_348 : memref<1000000x32xf32, #tpu.memory_space<hbm>>) dst(%dma_wait3A_342 : memref<800x32xf32, #tpu.memory_space<vmem>>)
    %add3A_349 = arith.constant 4800 : i32
    %add3A_350 = arith.addi %mul3A_2, %add3A_349 : i32
    %dma_start3A_351 = arith.constant 0 : i32
    %dma_start3A_352 = arith.constant 0 : i32
    %dma_start3A_353 = arith.constant 0 : i32
    %dma_start3A_354 = tpu.memref_slice %arg6[%dma_start3A_351, %dma_start3A_352, %dma_start3A_353] : memref<2x800x32xf32, #tpu.memory_space<vmem>> -> memref<1x800x32xf32, #tpu.memory_space<vmem>>
    %dma_start3A_355 = tpu.memref_squeeze %dma_start3A_354 : memref<1x800x32xf32, #tpu.memory_space<vmem>> -> memref<800x32xf32, #tpu.memory_space<vmem>>
    %dma_start3A_356 = arith.constant 0 : i32
    %dma_start3A_357 = tpu.memref_slice %arg4[%add3A_350, %dma_start3A_356] : memref<204800x32xf32, #tpu.memory_space<hbm>> -> memref<800x32xf32, #tpu.memory_space<hbm>>
    %dma_start3A_358 = arith.constant 0 : i32
    %dma_start3A_359 = tpu.memref_slice %arg4[%add3A_350, %dma_start3A_358] : memref<204800x32xf32, #tpu.memory_space<hbm>> -> memref<800x32xf32, #tpu.memory_space<hbm>>
    %dma_start3A_360 = arith.constant 0 : i32
    %dma_start3A_361 = arith.constant 0 : i32
    %dma_start3A_362 = tpu.memref_slice %arg6[%dma_start3A_351, %dma_start3A_360, %dma_start3A_361] : memref<2x800x32xf32, #tpu.memory_space<vmem>> -> memref<1x800x32xf32, #tpu.memory_space<vmem>>
    %dma_start3A_363 = tpu.memref_squeeze %dma_start3A_362 : memref<1x800x32xf32, #tpu.memory_space<vmem>> -> memref<800x32xf32, #tpu.memory_space<vmem>>
    tpu.enqueue_dma source(%dma_start3A_363 : memref<800x32xf32, #tpu.memory_space<vmem>>) target(%dma_start3A_359 : memref<800x32xf32, #tpu.memory_space<hbm>>) target_semaphore(%arg9 : memref<!tpu.dma_semaphore, #tpu.memory_space<semaphore_mem>>)
    %dma_wait3A_364 = arith.constant 7 : i32
    %dma_wait3A_365 = arith.constant 1 : i32
    %dma_wait3A_366 = arith.constant 0 : i32
    %dma_wait3A_367 = arith.constant 0 : i32
    %dma_wait3A_368 = tpu.memref_slice %arg6[%dma_wait3A_365, %dma_wait3A_366, %dma_wait3A_367] : memref<2x800x32xf32, #tpu.memory_space<vmem>> -> memref<1x800x32xf32, #tpu.memory_space<vmem>>
    %dma_wait3A_369 = tpu.memref_squeeze %dma_wait3A_368 : memref<1x800x32xf32, #tpu.memory_space<vmem>> -> memref<800x32xf32, #tpu.memory_space<vmem>>
    %dma_wait3A_370 = arith.constant 0 : i32
    %dma_wait3A_371 = tpu.memref_slice %arg5[%dma_wait3A_364, %dma_wait3A_370] : memref<8x800xi32, #tpu.memory_space<vmem>> -> memref<1x800xi32, #tpu.memory_space<vmem>>
    %dma_wait3A_372 = tpu.memref_squeeze %dma_wait3A_371 : memref<1x800xi32, #tpu.memory_space<vmem>> -> memref<800xi32, #tpu.memory_space<vmem>>
    %dma_wait3A_373 = arith.constant 0 : i32
    %dma_wait3A_374 = arith.constant 0 : i32
    %dma_wait3A_375 = tpu.memref_slice %arg3[%dma_wait3A_373, %dma_wait3A_374] : memref<1000000x32xf32, #tpu.memory_space<hbm>> -> memref<1000000x32xf32, #tpu.memory_space<hbm>>
    tpu.wait_indirect_dma semaphore(%arg8 : memref<!tpu.dma_semaphore, #tpu.memory_space<semaphore_mem>>) src(%dma_wait3A_375 : memref<1000000x32xf32, #tpu.memory_space<hbm>>) dst(%dma_wait3A_369 : memref<800x32xf32, #tpu.memory_space<vmem>>)
    %add3A_376 = arith.constant 5600 : i32
    %add3A_377 = arith.addi %mul3A_2, %add3A_376 : i32
    %dma_start3A_378 = arith.constant 1 : i32
    %dma_start3A_379 = arith.constant 0 : i32
    %dma_start3A_380 = arith.constant 0 : i32
    %dma_start3A_381 = tpu.memref_slice %arg6[%dma_start3A_378, %dma_start3A_379, %dma_start3A_380] : memref<2x800x32xf32, #tpu.memory_space<vmem>> -> memref<1x800x32xf32, #tpu.memory_space<vmem>>
    %dma_start3A_382 = tpu.memref_squeeze %dma_start3A_381 : memref<1x800x32xf32, #tpu.memory_space<vmem>> -> memref<800x32xf32, #tpu.memory_space<vmem>>
    %dma_start3A_383 = arith.constant 0 : i32
    %dma_start3A_384 = tpu.memref_slice %arg4[%add3A_377, %dma_start3A_383] : memref<204800x32xf32, #tpu.memory_space<hbm>> -> memref<800x32xf32, #tpu.memory_space<hbm>>
    %dma_start3A_385 = arith.constant 0 : i32
    %dma_start3A_386 = tpu.memref_slice %arg4[%add3A_377, %dma_start3A_385] : memref<204800x32xf32, #tpu.memory_space<hbm>> -> memref<800x32xf32, #tpu.memory_space<hbm>>
    %dma_start3A_387 = arith.constant 0 : i32
    %dma_start3A_388 = arith.constant 0 : i32
    %dma_start3A_389 = tpu.memref_slice %arg6[%dma_start3A_378, %dma_start3A_387, %dma_start3A_388] : memref<2x800x32xf32, #tpu.memory_space<vmem>> -> memref<1x800x32xf32, #tpu.memory_space<vmem>>
    %dma_start3A_390 = tpu.memref_squeeze %dma_start3A_389 : memref<1x800x32xf32, #tpu.memory_space<vmem>> -> memref<800x32xf32, #tpu.memory_space<vmem>>
    tpu.enqueue_dma source(%dma_start3A_390 : memref<800x32xf32, #tpu.memory_space<vmem>>) target(%dma_start3A_386 : memref<800x32xf32, #tpu.memory_space<hbm>>) target_semaphore(%arg10 : memref<!tpu.dma_semaphore, #tpu.memory_space<semaphore_mem>>)
    %dma_wait3A_391 = arith.constant 0 : i32
    %dma_wait3A_392 = arith.constant 0 : i32
    %dma_wait3A_393 = arith.constant 0 : i32
    %dma_wait3A_394 = tpu.memref_slice %arg6[%dma_wait3A_391, %dma_wait3A_392, %dma_wait3A_393] : memref<2x800x32xf32, #tpu.memory_space<vmem>> -> memref<1x800x32xf32, #tpu.memory_space<vmem>>
    %dma_wait3A_395 = tpu.memref_squeeze %dma_wait3A_394 : memref<1x800x32xf32, #tpu.memory_space<vmem>> -> memref<800x32xf32, #tpu.memory_space<vmem>>
    %dma_wait3A_396 = arith.constant 0 : i32
    %dma_wait3A_397 = tpu.memref_slice %arg4[%add3A_350, %dma_wait3A_396] : memref<204800x32xf32, #tpu.memory_space<hbm>> -> memref<800x32xf32, #tpu.memory_space<hbm>>
    %dma_wait3A_398 = arith.constant 0 : i32
    %dma_wait3A_399 = tpu.memref_slice %arg4[%add3A_350, %dma_wait3A_398] : memref<204800x32xf32, #tpu.memory_space<hbm>> -> memref<800x32xf32, #tpu.memory_space<hbm>>
    %dma_wait3A_400 = arith.constant 0 : i32
    %dma_wait3A_401 = arith.constant 0 : i32
    %dma_wait3A_402 = tpu.memref_slice %arg6[%dma_wait3A_391, %dma_wait3A_400, %dma_wait3A_401] : memref<2x800x32xf32, #tpu.memory_space<vmem>> -> memref<1x800x32xf32, #tpu.memory_space<vmem>>
    %dma_wait3A_403 = tpu.memref_squeeze %dma_wait3A_402 : memref<1x800x32xf32, #tpu.memory_space<vmem>> -> memref<800x32xf32, #tpu.memory_space<vmem>>
    tpu.wait_dma2 semaphore(%arg9 : memref<!tpu.dma_semaphore, #tpu.memory_space<semaphore_mem>>) src(%dma_wait3A_403 : memref<800x32xf32, #tpu.memory_space<vmem>>) dst(%dma_wait3A_399 : memref<800x32xf32, #tpu.memory_space<hbm>>)
    %dma_wait3A_404 = arith.constant 1 : i32
    %dma_wait3A_405 = arith.constant 0 : i32
    %dma_wait3A_406 = arith.constant 0 : i32
    %dma_wait3A_407 = tpu.memref_slice %arg6[%dma_wait3A_404, %dma_wait3A_405, %dma_wait3A_406] : memref<2x800x32xf32, #tpu.memory_space<vmem>> -> memref<1x800x32xf32, #tpu.memory_space<vmem>>
    %dma_wait3A_408 = tpu.memref_squeeze %dma_wait3A_407 : memref<1x800x32xf32, #tpu.memory_space<vmem>> -> memref<800x32xf32, #tpu.memory_space<vmem>>
    %dma_wait3A_409 = arith.constant 0 : i32
    %dma_wait3A_410 = tpu.memref_slice %arg4[%add3A_377, %dma_wait3A_409] : memref<204800x32xf32, #tpu.memory_space<hbm>> -> memref<800x32xf32, #tpu.memory_space<hbm>>
    %dma_wait3A_411 = arith.constant 0 : i32
    %dma_wait3A_412 = tpu.memref_slice %arg4[%add3A_377, %dma_wait3A_411] : memref<204800x32xf32, #tpu.memory_space<hbm>> -> memref<800x32xf32, #tpu.memory_space<hbm>>
    %dma_wait3A_413 = arith.constant 0 : i32
    %dma_wait3A_414 = arith.constant 0 : i32
    %dma_wait3A_415 = tpu.memref_slice %arg6[%dma_wait3A_404, %dma_wait3A_413, %dma_wait3A_414] : memref<2x800x32xf32, #tpu.memory_space<vmem>> -> memref<1x800x32xf32, #tpu.memory_space<vmem>>
    %dma_wait3A_416 = tpu.memref_squeeze %dma_wait3A_415 : memref<1x800x32xf32, #tpu.memory_space<vmem>> -> memref<800x32xf32, #tpu.memory_space<vmem>>
    tpu.wait_dma2 semaphore(%arg10 : memref<!tpu.dma_semaphore, #tpu.memory_space<semaphore_mem>>) src(%dma_wait3A_416 : memref<800x32xf32, #tpu.memory_space<vmem>>) dst(%dma_wait3A_412 : memref<800x32xf32, #tpu.memory_space<hbm>>)
    return
  }
}

</mosaic_0001>

<sc_bundles>
// kernel: _run.3.cloned.1.call-start
scs
__scs_entry_jumppad:
0x0: {  	(pc) =	sbr.rel $0x88, $3  }
0x1: {  	(tag) =	ssettag $0x0;
	lr =	simm.s32 $0x1  }
0x2: {  	[smem:$0x3F9F] =	sst lr;
	_ =	strace $0xD0000000  }
0x3: {  	_ = 	snop  }
0x4: {  	_ = 	snop  }
0x5: {  	_ = 	snop  }
0x6: {  	_ = 	snop  }
0x7: {  	_ = 	snop  }
__scs_overlays_trampoline_lowered:
0x8: {  	[smem:$0x3FAE] =	sst s0  }
0x9: {  	[smem:$0x3FAF] =	sst s1  }
0xa: {  	[smem:$0x3FB0] =	sst s2  }
0xb: {  	[smem:$0x3FB1] =	sst s3  }
0xc: {  	[smem:$0x3FB2] =	sst s4  }
0xd: {  	[smem:$0x3FB3] =	sst s5  }
0xe: {  	[smem:$0x3FB4] =	sst s6  }
0xf: {  	[smem:$0x3FB5] =	sst s7  }
0x10: {  	[smem:$0x3FB6] =	sst s8  }
0x11: {  	[smem:$0x3FB7] =	sst s9;
	s0 =	simm.s32 @!p0 $0x0  }
0x12: {  	s1 =	sld [smem:$0x3F9D];
	s0 =	simm.s32 @p0 $0x1  }
0x13: {  	[smem:$0x3FB8] =	sst s0;
	s0 =	simm.s32 @!p1 $0x0  }
0x14: {  	s2 =	sld [smem:$0x3F9C];
	s0 =	simm.s32 @p1 $0x1  }
0x15: {  	[smem:$0x3FB9] =	sst s0;
	s0 =	simm.s32 @!p2 $0x0  }
0x16: {  	s3 =	sld [smem:$0x3FDB];
	s0 =	simm.s32 @p2 $0x1  }
0x17: {  	s4 =	simm.s32 $0x1BF5;
	[smem:$0x3FBB] =	sst s0  }
0x18: {  	s0 =	sld [smem:$0x3F9E];
	_ =	swait.ge [sflag:s4], $0x0  }
0x19: {  	s7 =	sld [smem:$0x3F9F]  }
0x1a: {  	s8 =	sadd.s32 $0xFFFFE003, lr  }
0x1b: {  	s9 =	sadd.s32 $0xFFFFFEF7, lr;
	s5 =	simm.s32 $0xFFFFFFFF;
	p2 =	slt.u32 s8, $0xFFFFF086  }
0x1c: {  	p1 =	slt.u32 s9, $0xF7A;
	s5 =	simm.s32 @!p2 $0x0  }
0x1d: {  	s5 =	simm.s32 @p1 $0x1;
	p0 =	seq.s32 s7, s2  }
0x1e: {  	s7 =	smul.u32 @!p0 $0xF7A, s2;
	p2 =	seq.s32 @!p0 s5, $0x0  }
0x1f: {  	s9 =	smul.u32 $0xF7A, s1;
	s8 =	simm.s32 @!p0 $0x1BF5;
	p2 =	por !p2, p0  }
0x20: {  	[sflag:s8] =	ssyncset.s32 @!p0 $0xFFFFF086;
	s6 =	sadd.s32 @!p0 s3, s7;
	s7 =	simm.s32 @!p0 $0x108  }
0x21: {  	s3 =	sadd.s32 s3, s9;
	s6 =	sadd.s32 @!p0 $0x88, s6;
	s7 =	simm.s32 @p2 $0x1082  }
0x22: {  	[simem:s7], [sflag:s8] =	dma.local @!p0 [hbm:s6], $0xF7A  }
0x23: {  	s9 =	sor.u32 $0xD0000000, s2;
	s6 =	simm.s32 $0x108;
	_ =	swait.ge @!p0 [sflag:s8], $0x0  }
0x24: {  	s3 =	sadd.s32 $0x88, s3;
	s6 =	simm.s32 @!p1 $0x1082;
	[sflag:s4] =	ssyncset.s32 $0xFFFFF086  }
0x25: {  	[simem:s6], [sflag:s4] =	dma.local [hbm:s3], $0xF7A  }
0x26: {  	[smem:$0x3F9F] =	sst s1;
	(tag) =	ssettag s2;
	_ =	strace s9  }
0x27: {  	s1 =	sld [smem:$0x3FAF]  }
0x28: {  	s2 =	sld [smem:$0x3FB0]  }
0x29: {  	s4 =	sld [smem:$0x3FB2]  }
0x2a: {  	p0 =	seq.s32 s5, $0x0;
	s5 =	sld [smem:$0x3FB3]  }
0x2b: {  	s6 =	sld [smem:$0x3FB4]  }
0x2c: {  	s7 =	sld [smem:$0x3FB5]  }
0x2d: {  	s3 =	simm.s32 $0x108;
	s8 =	sld [smem:$0x3FB6]  }
0x2e: {  	s3 =	simm.s32 @!p0 $0x1082;
	s9 =	sld [smem:$0x3FB7]  }
0x2f: {  	lr =	sadd.s32 s0, s3;
	s0 =	sld [smem:$0x3FAE]  }
0x30: {  	s3 =	sld [smem:$0x3FB1]  }
0x31: {  	[smem:$0x3FBA] =	sst s10  }
0x32: {  	s10 =	sld [smem:$0x3FB8];
	_ =	sdelay $0x3  }
0x33: {  	p0 =	seq.s32 s10, $0x1;
	s10 =	sld [smem:$0x3FBA];
	_ =	sdelay $0x3  }
0x34: {  	[smem:$0x3FBA] =	sst s10  }
0x35: {  	s10 =	sld [smem:$0x3FB9];
	_ =	sdelay $0x3  }
0x36: {  	p1 =	seq.s32 s10, $0x1;
	s10 =	sld [smem:$0x3FBA];
	_ =	sdelay $0x3  }
0x37: {  	[smem:$0x3FBA] =	sst s10  }
0x38: {  	s10 =	sld [smem:$0x3FBB]  }
0x39: {  	_ = 	snop;
	(pc) =	sbr.ind lr, $3  }
0x3a: {  	_ = 	snop  }
0x3b: {  	_ = 	snop  }
0x3c: {  	p2 =	seq.s32 s10, $0x1;
	s10 =	sld [smem:$0x3FBA]  }
0x3d: {  	_ =	shalt  }
0x3e: {  	_ =	shalt  }
0x3f: {  	_ =	shalt  }
0x40: {  	_ =	shalt  }
0x41: {  	_ =	shalt  }
0x42: {  	_ =	shalt  }
0x43: {  	_ =	shalt  }
0x44: {  	_ =	shalt  }
0x45: {  	_ =	shalt  }
0x46: {  	_ =	shalt  }
0x47: {  	_ =	shalt  }
0x48: {  	_ =	shalt  }
0x49: {  	_ =	shalt  }
0x4a: {  	_ =	shalt  }
0x4b: {  	_ =	shalt  }
0x4c: {  	_ =	shalt  }
0x4d: {  	_ =	shalt  }
0x4e: {  	_ =	shalt  }
0x4f: {  	_ =	shalt  }
0x50: {  	_ =	shalt  }
0x51: {  	_ =	shalt  }
0x52: {  	_ =	shalt  }
0x53: {  	_ =	shalt  }
0x54: {  	_ =	shalt  }
0x55: {  	_ =	shalt  }
0x56: {  	_ =	shalt  }
0x57: {  	_ =	shalt  }
0x58: {  	_ =	shalt  }
0x59: {  	_ =	shalt  }
0x5a: {  	_ =	shalt  }
0x5b: {  	_ =	shalt  }
0x5c: {  	_ =	shalt  }
0x5d: {  	_ =	shalt  }
0x5e: {  	_ =	shalt  }
0x5f: {  	_ =	shalt  }
0x60: {  	_ =	shalt  }
0x61: {  	_ =	shalt  }
0x62: {  	_ =	shalt  }
0x63: {  	_ =	shalt  }
0x64: {  	_ =	shalt  }
0x65: {  	_ =	shalt  }
0x66: {  	_ =	shalt  }
0x67: {  	_ =	shalt  }
0x68: {  	_ =	shalt  }
0x69: {  	_ =	shalt  }
0x6a: {  	_ =	shalt  }
0x6b: {  	_ =	shalt  }
0x6c: {  	_ =	shalt  }
0x6d: {  	_ =	shalt  }
0x6e: {  	_ =	shalt  }
0x6f: {  	_ =	shalt  }
0x70: {  	_ =	shalt  }
0x71: {  	_ =	shalt  }
0x72: {  	_ =	shalt  }
0x73: {  	_ =	shalt  }
0x74: {  	_ =	shalt  }
0x75: {  	_ =	shalt  }
0x76: {  	_ =	shalt  }
0x77: {  	_ =	shalt  }
0x78: {  	_ =	shalt  }
0x79: {  	_ =	shalt  }
0x7a: {  	_ =	shalt  }
0x7b: {  	_ =	shalt  }
0x7c: {  	_ =	shalt  }
0x7d: {  	_ =	shalt  }
0x7e: {  	_ =	shalt  }
0x7f: {  	_ =	shalt  }
0x80: {  	_ =	shalt  }
0x81: {  	_ =	shalt  }
0x82: {  	_ =	shalt  }
0x83: {  	_ =	shalt  }
0x84: {  	_ =	shalt  }
0x85: {  	_ =	shalt  }
0x86: {  	_ =	shalt  }
0x87: {  	_ =	shalt  }
.Lfunc_end0:
.L_simem_size_0:
called_computation_lowered:
.L_overlay_start_0:
0x88: {  	s2 =	sld [smem:$0x3FD9]  }
0x89: {  	s3 =	sld [smem:$0x3FFE];
	_ =	sdelay $0x1  }
0x8a: {  	s1 =	srdreg.scid  }
0x8b: {  	s0 =	sand.u32 $0x1, s1  }
0x8c: {  	s17 =	sshll.u32 s0, $0xA;
	s2 =	sadd.s32 s3, s2  }
0x8d: {  	s2 =	sadd.s32 s2, s17  }
0x8e: {  	[smem:$0x3FC6] =	sst s2  }
0x8f: {  	_ = 	snop  }
0x90: {  	s2 =	sld [smem:$0x3FC9]  }
0x91: {  	s18 =	sld [smem:$0x3FD0];
	(tm) =	ssettm $0x1  }
0x92: {  	s4 =	sld [smem:$0x3FFB];
	_ =	sdelay $0x3  }
0x93: {  	_ =	strace s4  }
0x94: {  	s4 =	sld [smem:$0x3FFC];
	_ =	sdelay $0x3  }
0x95: {  	_ =	strace s4  }
0x96: {  	s4 =	sld [smem:$0x3FFD];
	_ =	sdelay $0x3  }
0x97: {  	_ =	strace s4  }
0x98: {  	_ =	strace $0x8FFFFFFF  }
0x99: {  	s19 =	sld [smem:$0x3FDB];
	_ =	sdelay $0x1  }
0x9a: {  	s5 =	simm.s32 $_scs_section_size  }
0x9b: {  	s6 =	simm.s32 $_size__tile_overlayer_lowered;
	s7 =	simm.s32 $_tile_overlayer_lowered  }
0x9c: {  	s22 =	simm.s32 $0x1BFF;
	s21 =	sshll.u32 s7, $0x1;
	s4 =	sadd.s32 s5, s19  }
0x9d: {  	s8 =	simm.s32 $0x0;
	s20 =	sshll.u32 s6, $0x1;
	s6 =	sadd.s32 s21, s4  }
0x9e: {  	[timem:s8], [sflag:s22] =	dma.local [hbm:s6], s20  }
0x9f: {  	_ =	swait.ge [sflag:s22], s20  }
0xa0: {  	s5 =	ssub.s32 $0x0, s20;
	[sflag:s22] =	ssyncset.done $0x0  }
0xa1: {  	[sflag:s22] =	ssyncadd.s32 s5;
	_ =	sdelay $0x1  }
0xa2: {  	s23 =	simm.s32 $0x1B8B  }
0xa3: {  	_ =	swait.ge [sflag:s23], $0x1  }
0xa4: {  	[sflag:s23] =	ssyncset.done $0x0  }
0xa5: {  	s25 =	simm.s32 $0x1B8E;
	s24 =	sld [smem:$0x3FFE];
	[sflag:s23] =	ssyncadd.s32 $0xFFFFFFFF  }
0xa6: {  	s26 =	simm.s32 $execute0_lowered;
	[smem:$0x3FD2] =	sst s25  }
0xa7: {  	s6 =	sshll.u32 s26, $0x1;
	_ =	strace $0x80000046;
	[dreg:$0x1] =	wrdreg $0xFFFFFFFF  }
0xa8: {  	s28 =	simm.s32 $_size_execute0_lowered;
	s4 =	sadd.s32 s4, s6;
	[dreg:$0x0] =	wrdreg $0x0  }
0xa9: {  	s6 =	sshll.u32 s28, $0x1;
	[dreg:$0x2] =	wrdreg s4  }
0xaa: {  	[dreg:$0x3] =	wrdreg s6  }
0xab: {  	[dreg:$0x4] =	wrdreg $0xC0  }
0xac: {  	_ =	task [dreg:s8], $0x5FFFF  }
0xad: {  	[dreg:$0x1] =	wrdreg $0xFFFFFFFF  }
0xae: {  	[dreg:$0x0] =	wrdreg $0x60  }
0xaf: {  	[dreg:$0x2] =	wrdreg s2  }
0xb0: {  	[dreg:$0x3] =	wrdreg s24  }
0xb1: {  	[dreg:$0x4] =	wrdreg s18  }
0xb2: {  	[dreg:$0x5] =	wrdreg $0x9  }
0xb3: {  	_ =	task.clear_ibuf [dreg:s8], $0x6FFFF;
	_ =	strace $0x90000046  }
0xb4: {  	s29 =	simm.s32 $0x9;
	_ =	strace $0x80000048  }
0xb5: {  	_ =	swait.ge [sflag:s29], $0x1  }
0xb6: {  	[sflag:s29] =	ssyncadd.s32 $0xFFFFFFFF  }
0xb7: {  	_ =	strace $0x90000048  }
0xb8: {  	_ =	sfence  }
0xb9: {  	s30 =	sld [smem:$0x0];
	_ =	sdelay $0x2  }
0xba: {  	s31 =	sshll.u32 s1, $0xD;
	s1 =	sshrl.u32 s1, $0x2  }
0xbb: {  	s3 =	sand.u32 $0x4000, s31;
	s1 =	sadd.s32 s1, s30  }
0xbc: {  	s0 =	sor.u32 s3, s0;
	s1 =	sshll.u32 s1, $0x11  }
0xbd: {  	s0 =	sor.u32 s1, s0  }
0xbe: {  	s0 =	sadd.s32 $0x8F2B, s0  }
0xbf: {  	[sflag:s0] =	ssyncadd.remote.s32 $0x1  }
0xc0: {  	_ =	sfence.sel $0xFFFF  }
0xc1: {  	[dreg:$0x0] =	wrdreg $0xFFFFFFFF;
	(pc) =	sbr.abs _section_cstart, $3  }
0xc2: {  	[dreg:$0x1] =	wrdreg $0xFFFFFFFF  }
0xc3: {  	_ =	task.clear_ibuf [dreg:s8], $0x2FFFF;
	_ =	strace $0x9FFFFFFF  }
0xc4: {  	(tm) =	ssettm $0x7FFFFFFF  }
0xc5: {  	_ =	shalt  }
tec
execute0_lowered:
.L_overlay_start_1:
0x0: {  	(tag) =	ssettag $0x1  }
0x1: {  	s3 =	rddreg [dreg:$0x0]  }
0x2: {  	s1 =	srdreg.scid;
	s0 =	stileid.u32  }
0x3: {  	s5 =	rddreg [dreg:$0x1];
	s26 =	sand.u32 $0x1, s1;
	s31 =	sshll.u32 s0, $0x1  }
0x4: {  	s14 =	rddreg [dreg:$0x2];
	s12 =	sor.u32 s26, s31  }
0x5: {  	s2 =	simm.s32 $0x0;
	s1 =	rddreg [dreg:$0x3];
	s4 =	smul.u32 $0x320, s12  }
0x6: {  	[smem:$0x7FF] =	sst s2  }
0x7: {  	_ =	strace $0x80000047;
	s3 =	sadd.s32 s3, s4;
	s4 =	simm.s32 $0x5  }
0x8: {  	[tilespmem:s2], [sflag:$0x5] =	stream.linear.gather [hbm4b:s3+s2], $0x1900, $0x38;
	[tilespmem:$0xE100] =	vst v63  }
0x9: {  	_ =	swait.ge [sflag:s4], $0x1900  }
0xa: {  	s6 =	simm.s32 $0x320;
	[sflag:s4] =	ssyncset.done $0x0  }
0xb: {  	s7 =	simm.s32 $0x1900;
	s5 =	sadd.s32 $0xF42800, s5;
	[sflag:s4] =	ssyncadd.s32 $0xFFFFE700  }
0xc: {  	[tilespmem:s7], [sflag:$0x1] =	stream.indirect.gather [hbm4b:s5+s6], $0x20, s2, s6, $0xb8;
	[tilespmem:$0xE100] =	vst v63  }
0xd: {  	s8 =	simm.s32 $0x7D00;
	s9 =	simm.s32 $0x1  }
0xe: {  	[tilespmem:s8], [sflag:$0x2] =	stream.indirect.gather [hbm4b:s5+s6], $0x20, s6, s6, $0xb8;
	[tilespmem:$0xE100] =	vst v63  }
0xf: {  	s10 =	smul.u32 $0x6400, s12;
	_ =	swait.ge [sflag:s9], $0x6400  }
0x10: {  	[sflag:s9] =	ssyncset.done $0x0  }
0x11: {  	s11 =	simm.s32 $0x3;
	s10 =	sadd.s32 s14, s10;
	[sflag:s9] =	ssyncadd.s32 $0xFFFF9C00  }
0x12: {  	[hbm4b:s10+s2] =	stream.linear.scatter [tilespmem:s7], [sflag:$0x3], $0x6400, $0x38;
	[tilespmem:$0xE100] =	vst v63  }
0x13: {  	_ =	swait.ge [sflag:s11], $0x6400  }
0x14: {  	s13 =	simm.s32 $0x2;
	[sflag:s11] =	ssyncset.done $0x0  }
0x15: {  	s15 =	smul.u32 $0x32000, s12;
	s12 =	simm.s32 $0x640;
	[sflag:s11] =	ssyncadd.s32 $0xFFFF9C00  }
0x16: {  	[tilespmem:s7], [sflag:$0x1] =	stream.indirect.gather [hbm4b:s5+s6], $0x20, s12, s6, $0xb8;
	[tilespmem:$0xE100] =	vst v63  }
0x17: {  	s15 =	sshrl.u32 s15, $0x3;
	_ =	swait.ge [sflag:s13], $0x6400  }
0x18: {  	s28 =	sadd.s32 s14, s15;
	[sflag:s13] =	ssyncset.done $0x0  }
0x19: {  	s14 =	simm.s32 $0x4;
	s15 =	sadd.s32 $0xC80, s28;
	[sflag:s13] =	ssyncadd.s32 $0xFFFF9C00  }
0x1a: {  	[hbm4b:s15+s2] =	stream.linear.scatter [tilespmem:s8], [sflag:$0x4], $0x6400, $0x38;
	[tilespmem:$0xE100] =	vst v63  }
0x1b: {  	_ =	swait.ge [sflag:s14], $0x6400  }
0x1c: {  	[sflag:s14] =	ssyncset.done $0x0  }
0x1d: {  	s16 =	simm.s32 $0x960;
	[sflag:s14] =	ssyncadd.s32 $0xFFFF9C00  }
0x1e: {  	[tilespmem:s8], [sflag:$0x2] =	stream.indirect.gather [hbm4b:s5+s6], $0x20, s16, s6, $0xb8;
	[tilespmem:$0xE100] =	vst v63  }
0x1f: {  	_ =	swait.ge [sflag:s9], $0x6400  }
0x20: {  	[sflag:s9] =	ssyncset.done $0x0  }
0x21: {  	s17 =	sadd.s32 $0x1900, s28;
	[sflag:s9] =	ssyncadd.s32 $0xFFFF9C00  }
0x22: {  	[hbm4b:s17+s2] =	stream.linear.scatter [tilespmem:s7], [sflag:$0x3], $0x6400, $0x38;
	[tilespmem:$0xE100] =	vst v63  }
0x23: {  	_ =	swait.ge [sflag:s11], $0x6400  }
0x24: {  	[sflag:s11] =	ssyncset.done $0x0  }
0x25: {  	s18 =	simm.s32 $0xC80;
	[sflag:s11] =	ssyncadd.s32 $0xFFFF9C00  }
0x26: {  	[tilespmem:s7], [sflag:$0x1] =	stream.indirect.gather [hbm4b:s5+s6], $0x20, s18, s6, $0xb8;
	[tilespmem:$0xE100] =	vst v63  }
0x27: {  	_ =	swait.ge [sflag:s13], $0x6400  }
0x28: {  	[sflag:s13] =	ssyncset.done $0x0  }
0x29: {  	s19 =	sadd.s32 $0x2580, s28;
	[sflag:s13] =	ssyncadd.s32 $0xFFFF9C00  }
0x2a: {  	[hbm4b:s19+s2] =	stream.linear.scatter [tilespmem:s8], [sflag:$0x4], $0x6400, $0x38;
	[tilespmem:$0xE100] =	vst v63  }
0x2b: {  	_ =	swait.ge [sflag:s14], $0x6400  }
0x2c: {  	[sflag:s14] =	ssyncset.done $0x0  }
0x2d: {  	s20 =	simm.s32 $0xFA0;
	[sflag:s14] =	ssyncadd.s32 $0xFFFF9C00  }
0x2e: {  	[tilespmem:s8], [sflag:$0x2] =	stream.indirect.gather [hbm4b:s5+s6], $0x20, s20, s6, $0xb8;
	[tilespmem:$0xE100] =	vst v63  }
0x2f: {  	_ =	swait.ge [sflag:s9], $0x6400  }
0x30: {  	[sflag:s9] =	ssyncset.done $0x0  }
0x31: {  	s21 =	sadd.s32 $0x3200, s28;
	[sflag:s9] =	ssyncadd.s32 $0xFFFF9C00  }
0x32: {  	[hbm4b:s21+s2] =	stream.linear.scatter [tilespmem:s7], [sflag:$0x3], $0x6400, $0x38;
	[tilespmem:$0xE100] =	vst v63  }
0x33: {  	_ =	swait.ge [sflag:s11], $0x6400  }
0x34: {  	[sflag:s11] =	ssyncset.done $0x0  }
0x35: {  	s22 =	simm.s32 $0x12C0;
	[sflag:s11] =	ssyncadd.s32 $0xFFFF9C00  }
0x36: {  	[tilespmem:s7], [sflag:$0x1] =	stream.indirect.gather [hbm4b:s5+s6], $0x20, s22, s6, $0xb8;
	[tilespmem:$0xE100] =	vst v63  }
0x37: {  	_ =	swait.ge [sflag:s13], $0x6400  }
0x38: {  	[sflag:s13] =	ssyncset.done $0x0  }
0x39: {  	s23 =	sadd.s32 $0x3E80, s28;
	[sflag:s13] =	ssyncadd.s32 $0xFFFF9C00  }
0x3a: {  	[hbm4b:s23+s2] =	stream.linear.scatter [tilespmem:s8], [sflag:$0x4], $0x6400, $0x38;
	[tilespmem:$0xE100] =	vst v63  }
0x3b: {  	_ =	swait.ge [sflag:s14], $0x6400  }
0x3c: {  	[sflag:s14] =	ssyncset.done $0x0  }
0x3d: {  	s24 =	simm.s32 $0x15E0;
	[sflag:s14] =	ssyncadd.s32 $0xFFFF9C00  }
0x3e: {  	[tilespmem:s8], [sflag:$0x2] =	stream.indirect.gather [hbm4b:s5+s6], $0x20, s24, s6, $0xb8;
	[tilespmem:$0xE100] =	vst v63  }
0x3f: {  	_ =	swait.ge [sflag:s9], $0x6400  }
0x40: {  	s29 =	ssub.s32 $0x2, s26;
	s25 =	sadd.s32 $0x4B00, s28;
	[sflag:s9] =	ssyncset.done $0x0  }
0x41: {  	s26 =	sadd.s32 $0x5780, s28;
	s28 =	sshrl.u32 s29, $0x1;
	[sflag:s9] =	ssyncadd.s32 $0xFFFF9C00  }
0x42: {  	[hbm4b:s25+s2] =	stream.linear.scatter [tilespmem:s7], [sflag:$0x3], $0x6400, $0x38;
	[tilespmem:$0xE100] =	vst v63  }
0x43: {  	s28 =	ssub.s32 s29, s28;
	_ =	swait.ge [sflag:s13], $0x6400  }
0x44: {  	s28 =	smax.u32 s28, $0x1;
	[sflag:s13] =	ssyncset.done $0x0  }
0x45: {  	p0 =	sne.s32 s28, $0x1;
	[sflag:s13] =	ssyncadd.s32 $0xFFFF9C00  }
0x46: {  	[hbm4b:s26+s2] =	stream.linear.scatter [tilespmem:s8], [sflag:$0x4], $0x6400, $0x38;
	[tilespmem:$0xE100] =	vst v63  }
.Ltmp0:
0x47: {  	_ =	swait.ge [sflag:s11], $0x6400;
	(pc) =	sbr.rel @!p0 .LBB2_2-.Ltmp0, $4  }
0x48: {  	[sflag:s11] =	ssyncset.done $0x0  }
0x49: {  	[sflag:s11] =	ssyncadd.s32 $0xFFFF9C00  }
0x4a: {  	_ =	swait.ge [sflag:s14], $0x6400  }
0x4b: {  	s28 =	sadd.s32 $0xFFFFFFFF, s28;
	[sflag:s14] =	ssyncset.done $0x0  }
.LBB2_1:
0x4c: {  	p0 =	sne.s32 s28, $0x1;
	s28 =	sadd.s32 $0xFFFFFFFF, s28;
	[sflag:s14] =	ssyncadd.s32 $0xFFFF9C00  }
0x4d: {  	[tilespmem:s2], [sflag:$0x5] =	stream.linear.gather [hbm4b:s3+s2], $0x1900, $0x38;
	[tilespmem:$0xE100] =	vst v63  }
0x4e: {  	_ =	swait.ge [sflag:s4], $0x1900  }
0x4f: {  	[sflag:s4] =	ssyncset.done $0x0  }
0x50: {  	[sflag:s4] =	ssyncadd.s32 $0xFFFFE700  }
0x51: {  	[tilespmem:s7], [sflag:$0x1] =	stream.indirect.gather [hbm4b:s5+s6], $0x20, s2, s6, $0xb8;
	[tilespmem:$0xE100] =	vst v63  }
0x52: {  	_ = 	snop  }
0x53: {  	[tilespmem:s8], [sflag:$0x2] =	stream.indirect.gather [hbm4b:s5+s6], $0x20, s6, s6, $0xb8;
	[tilespmem:$0xE100] =	vst v63  }
0x54: {  	_ =	swait.ge [sflag:s9], $0x6400  }
0x55: {  	[sflag:s9] =	ssyncset.done $0x0  }
0x56: {  	[sflag:s9] =	ssyncadd.s32 $0xFFFF9C00  }
0x57: {  	[hbm4b:s10+s2] =	stream.linear.scatter [tilespmem:s7], [sflag:$0x3], $0x6400, $0x38;
	[tilespmem:$0xE100] =	vst v63  }
0x58: {  	_ =	swait.ge [sflag:s11], $0x6400  }
0x59: {  	[sflag:s11] =	ssyncset.done $0x0  }
0x5a: {  	[sflag:s11] =	ssyncadd.s32 $0xFFFF9C00  }
0x5b: {  	[tilespmem:s7], [sflag:$0x1] =	stream.indirect.gather [hbm4b:s5+s6], $0x20, s12, s6, $0xb8;
	[tilespmem:$0xE100] =	vst v63  }
0x5c: {  	_ =	swait.ge [sflag:s13], $0x6400  }
0x5d: {  	[sflag:s13] =	ssyncset.done $0x0  }
0x5e: {  	[sflag:s13] =	ssyncadd.s32 $0xFFFF9C00  }
0x5f: {  	[hbm4b:s15+s2] =	stream.linear.scatter [tilespmem:s8], [sflag:$0x4], $0x6400, $0x38;
	[tilespmem:$0xE100] =	vst v63  }
0x60: {  	_ =	swait.ge [sflag:s14], $0x6400  }
0x61: {  	[sflag:s14] =	ssyncset.done $0x0  }
0x62: {  	[sflag:s14] =	ssyncadd.s32 $0xFFFF9C00  }
0x63: {  	[tilespmem:s8], [sflag:$0x2] =	stream.indirect.gather [hbm4b:s5+s6], $0x20, s16, s6, $0xb8;
	[tilespmem:$0xE100] =	vst v63  }
0x64: {  	_ =	swait.ge [sflag:s9], $0x6400  }
0x65: {  	[sflag:s9] =	ssyncset.done $0x0  }
0x66: {  	[sflag:s9] =	ssyncadd.s32 $0xFFFF9C00  }
0x67: {  	[hbm4b:s17+s2] =	stream.linear.scatter [tilespmem:s7], [sflag:$0x3], $0x6400, $0x38;
	[tilespmem:$0xE100] =	vst v63  }
0x68: {  	_ =	swait.ge [sflag:s11], $0x6400  }
0x69: {  	[sflag:s11] =	ssyncset.done $0x0  }
0x6a: {  	[sflag:s11] =	ssyncadd.s32 $0xFFFF9C00  }
0x6b: {  	[tilespmem:s7], [sflag:$0x1] =	stream.indirect.gather [hbm4b:s5+s6], $0x20, s18, s6, $0xb8;
	[tilespmem:$0xE100] =	vst v63  }
0x6c: {  	_ =	swait.ge [sflag:s13], $0x6400  }
0x6d: {  	[sflag:s13] =	ssyncset.done $0x0  }
0x6e: {  	[sflag:s13] =	ssyncadd.s32 $0xFFFF9C00  }
0x6f: {  	[hbm4b:s19+s2] =	stream.linear.scatter [tilespmem:s8], [sflag:$0x4], $0x6400, $0x38;
	[tilespmem:$0xE100] =	vst v63  }
0x70: {  	_ =	swait.ge [sflag:s14], $0x6400  }
0x71: {  	[sflag:s14] =	ssyncset.done $0x0  }
0x72: {  	[sflag:s14] =	ssyncadd.s32 $0xFFFF9C00  }
0x73: {  	[tilespmem:s8], [sflag:$0x2] =	stream.indirect.gather [hbm4b:s5+s6], $0x20, s20, s6, $0xb8;
	[tilespmem:$0xE100] =	vst v63  }
0x74: {  	_ =	swait.ge [sflag:s9], $0x6400  }
0x75: {  	[sflag:s9] =	ssyncset.done $0x0  }
0x76: {  	[sflag:s9] =	ssyncadd.s32 $0xFFFF9C00  }
0x77: {  	[hbm4b:s21+s2] =	stream.linear.scatter [tilespmem:s7], [sflag:$0x3], $0x6400, $0x38;
	[tilespmem:$0xE100] =	vst v63  }
0x78: {  	_ =	swait.ge [sflag:s11], $0x6400  }
0x79: {  	[sflag:s11] =	ssyncset.done $0x0  }
0x7a: {  	[sflag:s11] =	ssyncadd.s32 $0xFFFF9C00  }
0x7b: {  	[tilespmem:s7], [sflag:$0x1] =	stream.indirect.gather [hbm4b:s5+s6], $0x20, s22, s6, $0xb8;
	[tilespmem:$0xE100] =	vst v63  }
0x7c: {  	_ =	swait.ge [sflag:s13], $0x6400  }
0x7d: {  	[sflag:s13] =	ssyncset.done $0x0  }
0x7e: {  	[sflag:s13] =	ssyncadd.s32 $0xFFFF9C00  }
0x7f: {  	[hbm4b:s23+s2] =	stream.linear.scatter [tilespmem:s8], [sflag:$0x4], $0x6400, $0x38;
	[tilespmem:$0xE100] =	vst v63  }
0x80: {  	_ =	swait.ge [sflag:s14], $0x6400  }
0x81: {  	[sflag:s14] =	ssyncset.done $0x0  }
0x82: {  	[sflag:s14] =	ssyncadd.s32 $0xFFFF9C00  }
0x83: {  	[tilespmem:s8], [sflag:$0x2] =	stream.indirect.gather [hbm4b:s5+s6], $0x20, s24, s6, $0xb8;
	[tilespmem:$0xE100] =	vst v63  }
0x84: {  	_ =	swait.ge [sflag:s9], $0x6400  }
0x85: {  	[sflag:s9] =	ssyncset.done $0x0  }
0x86: {  	[sflag:s9] =	ssyncadd.s32 $0xFFFF9C00  }
0x87: {  	[hbm4b:s25+s2] =	stream.linear.scatter [tilespmem:s7], [sflag:$0x3], $0x6400, $0x38;
	[tilespmem:$0xE100] =	vst v63  }
0x88: {  	_ =	swait.ge [sflag:s13], $0x6400  }
0x89: {  	[sflag:s13] =	ssyncset.done $0x0  }
0x8a: {  	[sflag:s13] =	ssyncadd.s32 $0xFFFF9C00  }
0x8b: {  	[hbm4b:s26+s2] =	stream.linear.scatter [tilespmem:s8], [sflag:$0x4], $0x6400, $0x38;
	[tilespmem:$0xE100] =	vst v63  }
.Ltmp1:
0x8c: {  	_ =	swait.ge [sflag:s11], $0x6400;
	(pc) =	sbr.rel @p0 .LBB2_1-.Ltmp1, $4  }
0x8d: {  	[sflag:s11] =	ssyncset.done $0x0  }
0x8e: {  	[sflag:s11] =	ssyncadd.s32 $0xFFFF9C00  }
0x8f: {  	_ =	swait.ge [sflag:s14], $0x6400  }
0x90: {  	[sflag:s14] =	ssyncset.done $0x0  }
.LBB2_2:
0x91: {  	[sflag:s14] =	ssyncadd.s32 $0xFFFF9C00  }
0x92: {  	_ =	sfence.sel $0x180000  }
0x93: {  	[bflag:$0x0] =	sbarrier.arrive $0xFFFF  }
0x94: {  	p0 =	sne.s32 s0, $0x0;
	_ =	strace $0x90000047  }
0x95: {  	s0 =	sadd.s32 @!p0 $0x100000, s1;
	[bflag:$0x2] =	sbarrier.arrive $0xFFFF  }
0x96: {  	[sflag:s0] =	ssyncadd.tile.s32 @!p0 $0x1;
	_ =	shalt  }
.Lfunc_end2:
_tile_overlayer_lowered:
.L_overlay_start_2:
0x97: {  	(tag) =	ssettag $0x2  }
0x98: {  	s0 =	rddreg [dreg:$0x0];
	s2 =	stileid.u32  }
0x99: {  	s1 =	rddreg [dreg:$0x1];
	p0 =	sne.s32 s2, $0x0  }
0x9a: {  	s3 =	rddreg [dreg:$0x2];
	[bflag:$0x3] =	sbarrier.arrive $0xFFFF;
	s2 =	simm.s32 @!p0 $0x1C05  }
0x9b: {  	[timem:s3], [sflag:s2] =	dma.local @!p0 [hbm:s0], s1  }
0x9c: {  	s0 =	simm.s32 @!p0 $0x5  }
0x9d: {  	_ =	swait.ge @!p0 [sflag:s0], s1  }
0x9e: {  	s1 =	ssub.s32 @!p0 $0x0, s1;
	[sflag:s0] =	ssyncset.done @!p0 $0x0  }
0x9f: {  	[sflag:s0] =	ssyncadd.s32 @!p0 s1  }
0xa0: {  	[bflag:$0x3] =	sbarrier.arrive $0xFFFF  }
0xa1: {  	_ =	shalt  }

</sc_bundles>
